<compile_context>
chip_gen: v7x
topology: tpu7x:2x2x1
jax: 0.10.2.dev20260603
libtpu: 0.0.44.dev20260713+nightly
codegen_flags: <defaults>
</compile_context>

<pallas_src>
import functools

import jax
import jax.numpy as jnp
from jax import lax
from jax.experimental import pallas as pl
from jax.experimental.pallas import tpu as pltpu
from jax.experimental.pallas import tpu_sc as plsc



_DNUM_T_LHS = (((0,), (0,)), ((), ()))


def _tables_body(nst_ref, w1a_ref, w1b_ref, b1_ref, gs_ref, gd_ref):
    nst = nst_ref[...]
    gs = (
        lax.dot_general(nst, w1a_ref[...], _DNUM_T_LHS,
                        preferred_element_type=jnp.float32)
        + b1_ref[...]
    )
    gd = lax.dot_general(nst, w1b_ref[...], _DNUM_T_LHS,
                         preferred_element_type=jnp.float32)
    gs_ref[...] = gs
    gd_ref[...] = gd


def _make_tables(ns_t, w1a, w1b, b1_row):
    s, n = ns_t.shape
    f = w1a.shape[1]
    tn = 2048
    grid = (n + tn - 1) // tn
    return pl.pallas_call(
        _tables_body,
        grid=(grid,),
        in_specs=[
            pl.BlockSpec((s, tn), lambda i: (0, i)),
            pl.BlockSpec((s, f), lambda i: (0, 0)),
            pl.BlockSpec((s, f), lambda i: (0, 0)),
            pl.BlockSpec((1, f), lambda i: (0, 0)),
        ],
        out_specs=[
            pl.BlockSpec((tn, f), lambda i: (i, 0)),
            pl.BlockSpec((tn, f), lambda i: (i, 0)),
        ],
        out_shape=[
            jax.ShapeDtypeStruct((n, f), jnp.float32),
            jax.ShapeDtypeStruct((n, f), jnp.float32),
        ],
    )(ns_t, w1a, w1b, b1_row)



_C = 128
_TE = 6400


def _gather_add(gs, gd, edge_index):
    e = edge_index.shape[1]
    f = gs.shape[1]
    info = plsc.get_sparse_core_info()
    nw = info.num_cores * info.num_subcores
    n_chunks = e // _C
    assert e % _C == 0
    base_cnt = n_chunks // nw
    extra = n_chunks % nw
    maxc = base_cnt + (1 if extra else 0)
    mesh = plsc.VectorSubcoreMesh(core_axis_name="c", subcore_axis_name="s")

    @functools.partial(
        pl.kernel,
        mesh=mesh,
        compiler_params=pltpu.CompilerParams(use_tc_tiling_on_sc=False),
        out_type=jax.ShapeDtypeStruct((e // 2, 2 * f), jnp.float32),
        scratch_types=[
            pltpu.VMEM((maxc * _C,), jnp.int32),
            pltpu.VMEM((maxc * _C,), jnp.int32),
            pltpu.VMEM((_C, f), jnp.float32),
            pltpu.VMEM((_C, f), jnp.float32),
            pltpu.VMEM((_C, f), jnp.float32),
            pltpu.VMEM((_C, f), jnp.float32),
            pltpu.VMEM((_C, f), jnp.float32),
            pltpu.VMEM((_C, f), jnp.float32),
            pltpu.SemaphoreType.DMA,
            pltpu.SemaphoreType.DMA,
            pltpu.SemaphoreType.DMA,
        ],
    )
    def k(gs_hbm, gd_hbm, ei_hbm, out_hbm,
          ixs, ixd, rs_a, rd_a, rs_b, rd_b, rs_c, rd_c,
          sem_a, sem_b, sem_c):
        wid = lax.axis_index("s") * info.num_cores + lax.axis_index("c")
        count = base_cnt + jnp.where(wid < extra, 1, 0)
        base_edge = (wid * base_cnt + jnp.minimum(wid, extra)) * _C
        nbase = base_cnt * _C
        pltpu.sync_copy(ei_hbm.at[0, pl.ds(base_edge, nbase)],
                        ixs.at[pl.ds(0, nbase)])
        pltpu.sync_copy(ei_hbm.at[1, pl.ds(base_edge, nbase)],
                        ixd.at[pl.ds(0, nbase)])

        @pl.when(count > base_cnt)
        def _():
            pltpu.sync_copy(ei_hbm.at[0, pl.ds(base_edge + nbase, _C)],
                            ixs.at[pl.ds(nbase, _C)])
            pltpu.sync_copy(ei_hbm.at[1, pl.ds(base_edge + nbase, _C)],
                            ixd.at[pl.ds(nbase, _C)])

        def fire(i, rs, rd, sem):
            o = i * _C
            pltpu.async_copy(gs_hbm.at[ixs.at[pl.ds(o, _C)]], rs, sem)
            pltpu.async_copy(gd_hbm.at[ixd.at[pl.ds(o, _C)]], rd, sem)

        def drain(rs, rd, sem):
            pltpu.make_async_copy(gs_hbm.at[pl.ds(0, _C)], rs, sem).wait()
            pltpu.make_async_copy(gs_hbm.at[pl.ds(0, _C)], rd, sem).wait()

        def process(i, rs, rd):
            def row_body(rr, c2):
                for j in range(f // 16):
                    sl = pl.ds(j * 16, 16)
                    plsc.addupdate(rs.at[rr, sl], rd[rr, sl])
                return c2

            lax.fori_loop(0, _C, row_body, 0, unroll=2)
            eoff = base_edge + i * _C
            blk = eoff // _TE
            loc = eoff - blk * _TE
            half = loc // (_TE // 2)
            q0 = blk * (_TE // 2) + (loc - half * (_TE // 2))
            @pl.when(half == 0)
            def _():
                pltpu.sync_copy(rs, out_hbm.at[pl.ds(q0, _C), pl.ds(0, f)])

            @pl.when(half == 1)
            def _():
                pltpu.sync_copy(rs, out_hbm.at[pl.ds(q0, _C), pl.ds(f, f)])

        bufs = ((rs_a, rd_a, sem_a), (rs_b, rd_b, sem_b), (rs_c, rd_c, sem_c))
        fire(0, *bufs[0])

        @pl.when(1 < count)
        def _():
            fire(1, *bufs[1])

        @pl.when(2 < count)
        def _():
            fire(2, *bufs[2])

        n_triples = (count + 2) // 3

        def triple_body(j, carry):
            i0 = 3 * j
            for t in range(3):
                it = i0 + t
                rs, rd, sem = bufs[t]
                if t == 0:
                    drain(rs, rd, sem)
                    process(it, rs, rd)

                    @pl.when(it + 3 < count)
                    def _():
                        fire(it + 3, rs, rd, sem)
                else:
                    @pl.when(it < count)
                    def _():
                        drain(rs, rd, sem)
                        process(it, rs, rd)

                    @pl.when(it + 3 < count)
                    def _():
                        fire(it + 3, rs, rd, sem)

            return carry

        lax.fori_loop(0, n_triples, triple_body, 0)

    return k(gs, gd, edge_index)



_DNUM_T_RHS = (((1,), (1,)), ((), ()))


def _mlp_body(xt_ref, dt_ref, p_ref, il_ref, ir_ref, w1ct_ref, w1dt_ref,
              w2t_ref, b2_ref, g_ref, beta_ref, o_ref):
    xt = xt_ref[...]
    p = p_ref[...]
    e0 = lax.dot_general(il_ref[...], p, _DNUM_T_RHS,
                         preferred_element_type=jnp.float32)
    e1 = lax.dot_general(ir_ref[...], p, _DNUM_T_RHS,
                         preferred_element_type=jnp.float32)
    st = jnp.concatenate([e0, e1], axis=1)
    a = jnp.dot(w1ct_ref[...], xt, preferred_element_type=jnp.float32)
    a = a + jnp.dot(w1dt_ref[...], dt_ref[...],
                    preferred_element_type=jnp.float32)
    a = a + st
    h = a * jax.nn.sigmoid(a)
    h = jnp.dot(w2t_ref[...], h, preferred_element_type=jnp.float32)
    h = h + b2_ref[...]
    h = h * jax.nn.sigmoid(h)
    r = xt + h
    mu = jnp.mean(r, axis=0, keepdims=True)
    c = r - mu
    var = jnp.mean(c * c, axis=0, keepdims=True)
    o_ref[...] = c * lax.rsqrt(var + 1e-5) * g_ref[...] + beta_ref[...]


def _mlp(ef_t, d_t, s_packed, il, ir, w1c_t, w1d_t, w2_t, b2_c, g_c, beta_c):
    f, e = ef_t.shape
    r = d_t.shape[0]
    te = _TE
    assert e % te == 0
    grid = e // te
    return pl.pallas_call(
        _mlp_body,
        grid=(grid,),
        in_specs=[
            pl.BlockSpec((f, te), lambda i: (0, i)),
            pl.BlockSpec((r, te), lambda i: (0, i)),
            pl.BlockSpec((te // 2, 2 * f), lambda i: (i, 0)),
            pl.BlockSpec((f, 2 * f), lambda i: (0, 0)),
            pl.BlockSpec((f, 2 * f), lambda i: (0, 0)),
            pl.BlockSpec((f, f), lambda i: (0, 0)),
            pl.BlockSpec((f, r), lambda i: (0, 0)),
            pl.BlockSpec((f, f), lambda i: (0, 0)),
            pl.BlockSpec((f, 1), lambda i: (0, 0)),
            pl.BlockSpec((f, 1), lambda i: (0, 0)),
            pl.BlockSpec((f, 1), lambda i: (0, 0)),
        ],
        out_specs=pl.BlockSpec((f, te), lambda i: (0, i)),
        out_shape=jax.ShapeDtypeStruct((f, e), jnp.float32),
    )(ef_t, d_t, s_packed, il, ir, w1c_t, w1d_t, w2_t, b2_c, g_c, beta_c)


def kernel(node_scalars, edge_feats, d, W1, b1, W2, b2, ln_gamma, ln_beta,
           edge_index):
    n, s = node_scalars.shape
    e, f = edge_feats.shape
    w1a = W1[:s]
    w1b = W1[s:2 * s]
    w1c = W1[2 * s:2 * s + f]
    w1d = W1[2 * s + f:]

    gs, gd = _make_tables(node_scalars.T, w1a, w1b, b1.reshape(1, f))

    s_packed = _gather_add(gs, gd, edge_index)

    ident = jnp.eye(f, dtype=jnp.float32)
    zero = jnp.zeros((f, f), dtype=jnp.float32)
    out_t = _mlp(
        edge_feats.T,
        d.T,
        s_packed,
        jnp.concatenate([ident, zero], axis=1),
        jnp.concatenate([zero, ident], axis=1),
        w1c.T,
        w1d.T,
        W2.T,
        b2.reshape(f, 1),
        ln_gamma.reshape(f, 1),
        ln_beta.reshape(f, 1),
    )
    return out_t.T

# --- scband reference (transcript-rebuilt; emitter-appended) ---
"""Pipeline reference for scband-endpoint-vector-field-11038065950782 (READ-ONLY COPY).

The authoritative reference and input builder live on the scoring server;
editing this copy changes nothing except your own understanding.
"""

import jax, jax.numpy as jnp
import numpy as np

N = 50000
E = 800000
S = 64   # n_hidden_scalars
F = 64   # n_hidden_edge_feats
R = 16   # rbf_dim


def setup_inputs(seed: int = 0) -> dict:
    key = jax.random.key(seed)
    ks = jax.random.split(key, 10)
    node_scalars = jax.random.normal(ks[0], (N, S), dtype=jnp.float32)
    edge_index = jax.random.randint(ks[1], (2, E), 0, N)
    edge_feats = jax.random.normal(ks[2], (E, F), dtype=jnp.float32)
    d = jax.random.uniform(ks[3], (E, R), dtype=jnp.float32)
    in_dim = 2 * S + F + R
    W1 = jax.random.normal(ks[4], (in_dim, F), dtype=jnp.float32) / np.sqrt(in_dim)
    b1 = jnp.zeros((F,), dtype=jnp.float32)
    W2 = jax.random.normal(ks[5], (F, F), dtype=jnp.float32) / np.sqrt(F)
    b2 = jnp.zeros((F,), dtype=jnp.float32)
    ln_gamma = jnp.ones((F,), dtype=jnp.float32)
    ln_beta = jnp.zeros((F,), dtype=jnp.float32)
    return {
        "node_scalars": node_scalars,
        "edge_feats": edge_feats,
        "d": d,
        "W1": W1, "b1": b1, "W2": W2, "b2": b2,
        "ln_gamma": ln_gamma, "ln_beta": ln_beta,
        "edge_index": edge_index,
    }


def _layer_norm(x, gamma, beta, eps=1e-5):
    mu = jnp.mean(x, axis=-1, keepdims=True)
    var = jnp.var(x, axis=-1, keepdims=True)
    return (x - mu) / jnp.sqrt(var + eps) * gamma + beta


def reference(node_scalars, edge_feats, d, W1, b1, W2, b2, ln_gamma, ln_beta, edge_index):
    # EdgeUpdate.forward (update_edge_w_distance=True, single etype 'lig_lig'):
    # gather src/dst node scalars per edge, concat with edge feats and rbf dists,
    # 2-layer SiLU MLP, residual add, LayerNorm.
    src_idxs = edge_index[0]
    dst_idxs = edge_index[1]
    src_scalars = jnp.take(node_scalars, src_idxs, axis=0)
    dst_scalars = jnp.take(node_scalars, dst_idxs, axis=0)
    mlp_in = jnp.concatenate([src_scalars, dst_scalars, edge_feats, d], axis=-1)
    h = jax.nn.silu(mlp_in @ W1 + b1)
    h = jax.nn.silu(h @ W2 + b2)
    out = _layer_norm(edge_feats + h, ln_gamma, ln_beta)
    return out

if __name__ == "__main__":
    import jax
    _d = setup_inputs()
    print(jax.jit(kernel)(*tuple(_d.values())))

</pallas_src>

<mosaic_0001>
#map = affine_map<(d0, d1) -> (0, 0)>
module attributes {stable_mosaic.version = 14 : i64} {
  func.func @k(%arg0: i32, %arg1: i32, %arg2: memref<50000x64xf32, #tpu.memory_space<hbm>>, %arg3: memref<50000x64xf32, #tpu.memory_space<hbm>>, %arg4: memref<2x800000xi32, #tpu.memory_space<hbm>>, %arg5: memref<400000x128xf32, #tpu.memory_space<hbm>>, %arg6: memref<25088xi32, #tpu.memory_space<vmem>>, %arg7: memref<25088xi32, #tpu.memory_space<vmem>>, %arg8: memref<128x64xf32, #tpu.memory_space<vmem>>, %arg9: memref<128x64xf32, #tpu.memory_space<vmem>>, %arg10: memref<128x64xf32, #tpu.memory_space<vmem>>, %arg11: memref<128x64xf32, #tpu.memory_space<vmem>>, %arg12: memref<128x64xf32, #tpu.memory_space<vmem>>, %arg13: memref<128x64xf32, #tpu.memory_space<vmem>>, %arg14: memref<!tpu.dma_semaphore, #tpu.memory_space<semaphore_mem>>, %arg15: memref<!tpu.dma_semaphore, #tpu.memory_space<semaphore_mem>>, %arg16: memref<!tpu.dma_semaphore, #tpu.memory_space<semaphore_mem>>) attributes {dimension_semantics = [#tpu.dimension_semantics<core_parallel>, #tpu.dimension_semantics<subcore_parallel>], iteration_bounds = array<i64: 2, 16>, scalar_prefetch = 0 : i64, scratch_operands = 11 : i64, tpu.core_type = #tpu.core_type<sc_vector_subcore>, window_params = [{transform_indices = #map}, {transform_indices = #map}, {transform_indices = #map}, {transform_indices = #map}]} {
    %mul3A = arith.constant 2 : i32
    %mul3A_0 = arith.muli %arg1, %mul3A : i32
    %add3A = arith.addi %mul3A_0, %arg0 : i32
    %lt3A = arith.constant 10 : i32
    %lt3A_1 = arith.cmpi slt, %add3A, %lt3A : i32
    %jit3A = arith.constant 1 : i32
    %jit3A_2 = arith.constant 0 : i32
    %select_n3A = arith.select %lt3A_1, %jit3A, %jit3A_2 : i32
    %add3A_3 = arith.constant 195 : i32
    %add3A_4 = arith.addi %add3A_3, %select_n3A : i32
    %mul3A_5 = arith.constant 195 : i32
    %mul3A_6 = arith.muli %add3A, %mul3A_5 : i32
    %min3A = arith.constant 10 : i32
    %min3A_7 = arith.minsi %add3A, %min3A : i32
    %add3A_8 = arith.addi %mul3A_6, %min3A_7 : i32
    %mul3A_9 = arith.constant 128 : i32
    %mul3A_10 = arith.muli %add3A_8, %mul3A_9 : i32
    %run_scoped3A = arith.constant 0 : i32
    "tpu.region"() ({
      %run_scoped3A_62 = tpu.sem_alloc : memref<!tpu.dma_semaphore, #tpu.memory_space<semaphore_mem>>
      %dma_start3A_63 = arith.constant 0 : i32
      %dma_start3A_64 = tpu.memref_slice %arg6[%dma_start3A_63] : memref<25088xi32, #tpu.memory_space<vmem>> -> memref<24960xi32, #tpu.memory_space<vmem>>
      %dma_start3A_65 = tpu.memref_slice %arg4[%run_scoped3A, %mul3A_10] : memref<2x800000xi32, #tpu.memory_space<hbm>> -> memref<1x24960xi32, #tpu.memory_space<hbm>>
      %dma_start3A_66 = tpu.memref_squeeze %dma_start3A_65 : memref<1x24960xi32, #tpu.memory_space<hbm>> -> memref<24960xi32, #tpu.memory_space<hbm>>
      %dma_start3A_67 = arith.constant 0 : i32
      %dma_start3A_68 = tpu.memref_slice %arg6[%dma_start3A_67] : memref<25088xi32, #tpu.memory_space<vmem>> -> memref<24960xi32, #tpu.memory_space<vmem>>
      %dma_start3A_69 = tpu.memref_slice %arg4[%run_scoped3A, %mul3A_10] : memref<2x800000xi32, #tpu.memory_space<hbm>> -> memref<1x24960xi32, #tpu.memory_space<hbm>>
      %dma_start3A_70 = tpu.memref_squeeze %dma_start3A_69 : memref<1x24960xi32, #tpu.memory_space<hbm>> -> memref<24960xi32, #tpu.memory_space<hbm>>
      tpu.enqueue_dma source(%dma_start3A_70 : memref<24960xi32, #tpu.memory_space<hbm>>) target(%dma_start3A_68 : memref<24960xi32, #tpu.memory_space<vmem>>) target_semaphore(%run_scoped3A_62 : memref<!tpu.dma_semaphore, #tpu.memory_space<semaphore_mem>>)
      %dma_wait3A = arith.constant 0 : i32
      %dma_wait3A_71 = tpu.memref_slice %arg6[%dma_wait3A] : memref<25088xi32, #tpu.memory_space<vmem>> -> memref<24960xi32, #tpu.memory_space<vmem>>
      %dma_wait3A_72 = tpu.memref_slice %arg4[%run_scoped3A, %mul3A_10] : memref<2x800000xi32, #tpu.memory_space<hbm>> -> memref<1x24960xi32, #tpu.memory_space<hbm>>
      %dma_wait3A_73 = tpu.memref_squeeze %dma_wait3A_72 : memref<1x24960xi32, #tpu.memory_space<hbm>> -> memref<24960xi32, #tpu.memory_space<hbm>>
      %dma_wait3A_74 = arith.constant 0 : i32
      %dma_wait3A_75 = tpu.memref_slice %arg6[%dma_wait3A_74] : memref<25088xi32, #tpu.memory_space<vmem>> -> memref<24960xi32, #tpu.memory_space<vmem>>
      %dma_wait3A_76 = tpu.memref_slice %arg4[%run_scoped3A, %mul3A_10] : memref<2x800000xi32, #tpu.memory_space<hbm>> -> memref<1x24960xi32, #tpu.memory_space<hbm>>
      %dma_wait3A_77 = tpu.memref_squeeze %dma_wait3A_76 : memref<1x24960xi32, #tpu.memory_space<hbm>> -> memref<24960xi32, #tpu.memory_space<hbm>>
      tpu.wait_dma2 semaphore(%run_scoped3A_62 : memref<!tpu.dma_semaphore, #tpu.memory_space<semaphore_mem>>) src(%dma_wait3A_77 : memref<24960xi32, #tpu.memory_space<hbm>>) dst(%dma_wait3A_75 : memref<24960xi32, #tpu.memory_space<vmem>>)
      tpu.yield
    }) : () -> ()
    %run_scoped3A_11 = arith.constant 1 : i32
    "tpu.region"() ({
      %run_scoped3A_62 = tpu.sem_alloc : memref<!tpu.dma_semaphore, #tpu.memory_space<semaphore_mem>>
      %dma_start3A_63 = arith.constant 0 : i32
      %dma_start3A_64 = tpu.memref_slice %arg7[%dma_start3A_63] : memref<25088xi32, #tpu.memory_space<vmem>> -> memref<24960xi32, #tpu.memory_space<vmem>>
      %dma_start3A_65 = tpu.memref_slice %arg4[%run_scoped3A_11, %mul3A_10] : memref<2x800000xi32, #tpu.memory_space<hbm>> -> memref<1x24960xi32, #tpu.memory_space<hbm>>
      %dma_start3A_66 = tpu.memref_squeeze %dma_start3A_65 : memref<1x24960xi32, #tpu.memory_space<hbm>> -> memref<24960xi32, #tpu.memory_space<hbm>>
      %dma_start3A_67 = arith.constant 0 : i32
      %dma_start3A_68 = tpu.memref_slice %arg7[%dma_start3A_67] : memref<25088xi32, #tpu.memory_space<vmem>> -> memref<24960xi32, #tpu.memory_space<vmem>>
      %dma_start3A_69 = tpu.memref_slice %arg4[%run_scoped3A_11, %mul3A_10] : memref<2x800000xi32, #tpu.memory_space<hbm>> -> memref<1x24960xi32, #tpu.memory_space<hbm>>
      %dma_start3A_70 = tpu.memref_squeeze %dma_start3A_69 : memref<1x24960xi32, #tpu.memory_space<hbm>> -> memref<24960xi32, #tpu.memory_space<hbm>>
      tpu.enqueue_dma source(%dma_start3A_70 : memref<24960xi32, #tpu.memory_space<hbm>>) target(%dma_start3A_68 : memref<24960xi32, #tpu.memory_space<vmem>>) target_semaphore(%run_scoped3A_62 : memref<!tpu.dma_semaphore, #tpu.memory_space<semaphore_mem>>)
      %dma_wait3A = arith.constant 0 : i32
      %dma_wait3A_71 = tpu.memref_slice %arg7[%dma_wait3A] : memref<25088xi32, #tpu.memory_space<vmem>> -> memref<24960xi32, #tpu.memory_space<vmem>>
      %dma_wait3A_72 = tpu.memref_slice %arg4[%run_scoped3A_11, %mul3A_10] : memref<2x800000xi32, #tpu.memory_space<hbm>> -> memref<1x24960xi32, #tpu.memory_space<hbm>>
      %dma_wait3A_73 = tpu.memref_squeeze %dma_wait3A_72 : memref<1x24960xi32, #tpu.memory_space<hbm>> -> memref<24960xi32, #tpu.memory_space<hbm>>
      %dma_wait3A_74 = arith.constant 0 : i32
      %dma_wait3A_75 = tpu.memref_slice %arg7[%dma_wait3A_74] : memref<25088xi32, #tpu.memory_space<vmem>> -> memref<24960xi32, #tpu.memory_space<vmem>>
      %dma_wait3A_76 = tpu.memref_slice %arg4[%run_scoped3A_11, %mul3A_10] : memref<2x800000xi32, #tpu.memory_space<hbm>> -> memref<1x24960xi32, #tpu.memory_space<hbm>>
      %dma_wait3A_77 = tpu.memref_squeeze %dma_wait3A_76 : memref<1x24960xi32, #tpu.memory_space<hbm>> -> memref<24960xi32, #tpu.memory_space<hbm>>
      tpu.wait_dma2 semaphore(%run_scoped3A_62 : memref<!tpu.dma_semaphore, #tpu.memory_space<semaphore_mem>>) src(%dma_wait3A_77 : memref<24960xi32, #tpu.memory_space<hbm>>) dst(%dma_wait3A_75 : memref<24960xi32, #tpu.memory_space<vmem>>)
      tpu.yield
    }) : () -> ()
    %gt3A = arith.constant 195 : i32
    %gt3A_12 = arith.cmpi sgt, %add3A_4, %gt3A : i32
    %convert_element_type3A = arith.extui %gt3A_12 : i1 to i32
    %cond3A = arith.constant 0 : i32
    %cond3A_13 = arith.cmpi ne, %convert_element_type3A, %cond3A : i32
    scf.if %cond3A_13 {
      %add3A_62 = arith.constant 24960 : i32
      %add3A_63 = arith.addi %mul3A_10, %add3A_62 : i32
      %run_scoped3A_64 = arith.constant 0 : i32
      "tpu.region"() ({
        %run_scoped3A_68 = tpu.sem_alloc : memref<!tpu.dma_semaphore, #tpu.memory_space<semaphore_mem>>
        %dma_start3A_69 = arith.constant 24960 : i32
        %dma_start3A_70 = tpu.memref_slice %arg6[%dma_start3A_69] : memref<25088xi32, #tpu.memory_space<vmem>> -> memref<128xi32, #tpu.memory_space<vmem>>
        %dma_start3A_71 = tpu.memref_slice %arg4[%run_scoped3A_64, %add3A_63] : memref<2x800000xi32, #tpu.memory_space<hbm>> -> memref<1x128xi32, #tpu.memory_space<hbm>>
        %dma_start3A_72 = tpu.memref_squeeze %dma_start3A_71 : memref<1x128xi32, #tpu.memory_space<hbm>> -> memref<128xi32, #tpu.memory_space<hbm>>
        %dma_start3A_73 = arith.constant 24960 : i32
        %dma_start3A_74 = tpu.memref_slice %arg6[%dma_start3A_73] : memref<25088xi32, #tpu.memory_space<vmem>> -> memref<128xi32, #tpu.memory_space<vmem>>
        %dma_start3A_75 = tpu.memref_slice %arg4[%run_scoped3A_64, %add3A_63] : memref<2x800000xi32, #tpu.memory_space<hbm>> -> memref<1x128xi32, #tpu.memory_space<hbm>>
        %dma_start3A_76 = tpu.memref_squeeze %dma_start3A_75 : memref<1x128xi32, #tpu.memory_space<hbm>> -> memref<128xi32, #tpu.memory_space<hbm>>
        tpu.enqueue_dma source(%dma_start3A_76 : memref<128xi32, #tpu.memory_space<hbm>>) target(%dma_start3A_74 : memref<128xi32, #tpu.memory_space<vmem>>) target_semaphore(%run_scoped3A_68 : memref<!tpu.dma_semaphore, #tpu.memory_space<semaphore_mem>>)
        %dma_wait3A = arith.constant 24960 : i32
        %dma_wait3A_77 = tpu.memref_slice %arg6[%dma_wait3A] : memref<25088xi32, #tpu.memory_space<vmem>> -> memref<128xi32, #tpu.memory_space<vmem>>
        %dma_wait3A_78 = tpu.memref_slice %arg4[%run_scoped3A_64, %add3A_63] : memref<2x800000xi32, #tpu.memory_space<hbm>> -> memref<1x128xi32, #tpu.memory_space<hbm>>
        %dma_wait3A_79 = tpu.memref_squeeze %dma_wait3A_78 : memref<1x128xi32, #tpu.memory_space<hbm>> -> memref<128xi32, #tpu.memory_space<hbm>>
        %dma_wait3A_80 = arith.constant 24960 : i32
        %dma_wait3A_81 = tpu.memref_slice %arg6[%dma_wait3A_80] : memref<25088xi32, #tpu.memory_space<vmem>> -> memref<128xi32, #tpu.memory_space<vmem>>
        %dma_wait3A_82 = tpu.memref_slice %arg4[%run_scoped3A_64, %add3A_63] : memref<2x800000xi32, #tpu.memory_space<hbm>> -> memref<1x128xi32, #tpu.memory_space<hbm>>
        %dma_wait3A_83 = tpu.memref_squeeze %dma_wait3A_82 : memref<1x128xi32, #tpu.memory_space<hbm>> -> memref<128xi32, #tpu.memory_space<hbm>>
        tpu.wait_dma2 semaphore(%run_scoped3A_68 : memref<!tpu.dma_semaphore, #tpu.memory_space<semaphore_mem>>) src(%dma_wait3A_83 : memref<128xi32, #tpu.memory_space<hbm>>) dst(%dma_wait3A_81 : memref<128xi32, #tpu.memory_space<vmem>>)
        tpu.yield
      }) : () -> ()
      %add3A_65 = arith.constant 24960 : i32
      %add3A_66 = arith.addi %mul3A_10, %add3A_65 : i32
      %run_scoped3A_67 = arith.constant 1 : i32
      "tpu.region"() ({
        %run_scoped3A_68 = tpu.sem_alloc : memref<!tpu.dma_semaphore, #tpu.memory_space<semaphore_mem>>
        %dma_start3A_69 = arith.constant 24960 : i32
        %dma_start3A_70 = tpu.memref_slice %arg7[%dma_start3A_69] : memref<25088xi32, #tpu.memory_space<vmem>> -> memref<128xi32, #tpu.memory_space<vmem>>
        %dma_start3A_71 = tpu.memref_slice %arg4[%run_scoped3A_67, %add3A_66] : memref<2x800000xi32, #tpu.memory_space<hbm>> -> memref<1x128xi32, #tpu.memory_space<hbm>>
        %dma_start3A_72 = tpu.memref_squeeze %dma_start3A_71 : memref<1x128xi32, #tpu.memory_space<hbm>> -> memref<128xi32, #tpu.memory_space<hbm>>
        %dma_start3A_73 = arith.constant 24960 : i32
        %dma_start3A_74 = tpu.memref_slice %arg7[%dma_start3A_73] : memref<25088xi32, #tpu.memory_space<vmem>> -> memref<128xi32, #tpu.memory_space<vmem>>
        %dma_start3A_75 = tpu.memref_slice %arg4[%run_scoped3A_67, %add3A_66] : memref<2x800000xi32, #tpu.memory_space<hbm>> -> memref<1x128xi32, #tpu.memory_space<hbm>>
        %dma_start3A_76 = tpu.memref_squeeze %dma_start3A_75 : memref<1x128xi32, #tpu.memory_space<hbm>> -> memref<128xi32, #tpu.memory_space<hbm>>
        tpu.enqueue_dma source(%dma_start3A_76 : memref<128xi32, #tpu.memory_space<hbm>>) target(%dma_start3A_74 : memref<128xi32, #tpu.memory_space<vmem>>) target_semaphore(%run_scoped3A_68 : memref<!tpu.dma_semaphore, #tpu.memory_space<semaphore_mem>>)
        %dma_wait3A = arith.constant 24960 : i32
        %dma_wait3A_77 = tpu.memref_slice %arg7[%dma_wait3A] : memref<25088xi32, #tpu.memory_space<vmem>> -> memref<128xi32, #tpu.memory_space<vmem>>
        %dma_wait3A_78 = tpu.memref_slice %arg4[%run_scoped3A_67, %add3A_66] : memref<2x800000xi32, #tpu.memory_space<hbm>> -> memref<1x128xi32, #tpu.memory_space<hbm>>
        %dma_wait3A_79 = tpu.memref_squeeze %dma_wait3A_78 : memref<1x128xi32, #tpu.memory_space<hbm>> -> memref<128xi32, #tpu.memory_space<hbm>>
        %dma_wait3A_80 = arith.constant 24960 : i32
        %dma_wait3A_81 = tpu.memref_slice %arg7[%dma_wait3A_80] : memref<25088xi32, #tpu.memory_space<vmem>> -> memref<128xi32, #tpu.memory_space<vmem>>
        %dma_wait3A_82 = tpu.memref_slice %arg4[%run_scoped3A_67, %add3A_66] : memref<2x800000xi32, #tpu.memory_space<hbm>> -> memref<1x128xi32, #tpu.memory_space<hbm>>
        %dma_wait3A_83 = tpu.memref_squeeze %dma_wait3A_82 : memref<1x128xi32, #tpu.memory_space<hbm>> -> memref<128xi32, #tpu.memory_space<hbm>>
        tpu.wait_dma2 semaphore(%run_scoped3A_68 : memref<!tpu.dma_semaphore, #tpu.memory_space<semaphore_mem>>) src(%dma_wait3A_83 : memref<128xi32, #tpu.memory_space<hbm>>) dst(%dma_wait3A_81 : memref<128xi32, #tpu.memory_space<vmem>>)
        tpu.yield
      }) : () -> ()
    } else {
    }
    %dma_start3A = arith.constant 0 : i32
    %dma_start3A_14 = tpu.memref_slice %arg6[%dma_start3A] : memref<25088xi32, #tpu.memory_space<vmem>> -> memref<128xi32, #tpu.memory_space<vmem>>
    %dma_start3A_15 = arith.constant 0 : i32
    %dma_start3A_16 = arith.constant 0 : i32
    %dma_start3A_17 = tpu.memref_slice %arg2[%dma_start3A_15, %dma_start3A_16] : memref<50000x64xf32, #tpu.memory_space<hbm>> -> memref<50000x64xf32, #tpu.memory_space<hbm>>
    tpu.enqueue_indirect_dma source(%dma_start3A_17 : memref<50000x64xf32, #tpu.memory_space<hbm>>) target(%arg8 : memref<128x64xf32, #tpu.memory_space<vmem>>) offsets(%dma_start3A_14 : memref<128xi32, #tpu.memory_space<vmem>>) semaphore(%arg14 : memref<!tpu.dma_semaphore, #tpu.memory_space<semaphore_mem>>)
    %dma_start3A_18 = arith.constant 0 : i32
    %dma_start3A_19 = tpu.memref_slice %arg7[%dma_start3A_18] : memref<25088xi32, #tpu.memory_space<vmem>> -> memref<128xi32, #tpu.memory_space<vmem>>
    %dma_start3A_20 = arith.constant 0 : i32
    %dma_start3A_21 = arith.constant 0 : i32
    %dma_start3A_22 = tpu.memref_slice %arg3[%dma_start3A_20, %dma_start3A_21] : memref<50000x64xf32, #tpu.memory_space<hbm>> -> memref<50000x64xf32, #tpu.memory_space<hbm>>
    tpu.enqueue_indirect_dma source(%dma_start3A_22 : memref<50000x64xf32, #tpu.memory_space<hbm>>) target(%arg9 : memref<128x64xf32, #tpu.memory_space<vmem>>) offsets(%dma_start3A_19 : memref<128xi32, #tpu.memory_space<vmem>>) semaphore(%arg14 : memref<!tpu.dma_semaphore, #tpu.memory_space<semaphore_mem>>)
    %gt3A_23 = arith.constant 1 : i32
    %gt3A_24 = arith.cmpi sgt, %add3A_4, %gt3A_23 : i32
    %convert_element_type3A_25 = arith.extui %gt3A_24 : i1 to i32
    %cond3A_26 = arith.constant 0 : i32
    %cond3A_27 = arith.cmpi ne, %convert_element_type3A_25, %cond3A_26 : i32
    scf.if %cond3A_27 {
      %dma_start3A_62 = arith.constant 128 : i32
      %dma_start3A_63 = tpu.memref_slice %arg6[%dma_start3A_62] : memref<25088xi32, #tpu.memory_space<vmem>> -> memref<128xi32, #tpu.memory_space<vmem>>
      %dma_start3A_64 = arith.constant 0 : i32
      %dma_start3A_65 = arith.constant 0 : i32
      %dma_start3A_66 = tpu.memref_slice %arg2[%dma_start3A_64, %dma_start3A_65] : memref<50000x64xf32, #tpu.memory_space<hbm>> -> memref<50000x64xf32, #tpu.memory_space<hbm>>
      tpu.enqueue_indirect_dma source(%dma_start3A_66 : memref<50000x64xf32, #tpu.memory_space<hbm>>) target(%arg10 : memref<128x64xf32, #tpu.memory_space<vmem>>) offsets(%dma_start3A_63 : memref<128xi32, #tpu.memory_space<vmem>>) semaphore(%arg15 : memref<!tpu.dma_semaphore, #tpu.memory_space<semaphore_mem>>)
      %dma_start3A_67 = arith.constant 128 : i32
      %dma_start3A_68 = tpu.memref_slice %arg7[%dma_start3A_67] : memref<25088xi32, #tpu.memory_space<vmem>> -> memref<128xi32, #tpu.memory_space<vmem>>
      %dma_start3A_69 = arith.constant 0 : i32
      %dma_start3A_70 = arith.constant 0 : i32
      %dma_start3A_71 = tpu.memref_slice %arg3[%dma_start3A_69, %dma_start3A_70] : memref<50000x64xf32, #tpu.memory_space<hbm>> -> memref<50000x64xf32, #tpu.memory_space<hbm>>
      tpu.enqueue_indirect_dma source(%dma_start3A_71 : memref<50000x64xf32, #tpu.memory_space<hbm>>) target(%arg11 : memref<128x64xf32, #tpu.memory_space<vmem>>) offsets(%dma_start3A_68 : memref<128xi32, #tpu.memory_space<vmem>>) semaphore(%arg15 : memref<!tpu.dma_semaphore, #tpu.memory_space<semaphore_mem>>)
    } else {
    }
    %gt3A_28 = arith.constant 2 : i32
    %gt3A_29 = arith.cmpi sgt, %add3A_4, %gt3A_28 : i32
    %convert_element_type3A_30 = arith.extui %gt3A_29 : i1 to i32
    %cond3A_31 = arith.constant 0 : i32
    %cond3A_32 = arith.cmpi ne, %convert_element_type3A_30, %cond3A_31 : i32
    scf.if %cond3A_32 {
      %dma_start3A_62 = arith.constant 256 : i32
      %dma_start3A_63 = tpu.memref_slice %arg6[%dma_start3A_62] : memref<25088xi32, #tpu.memory_space<vmem>> -> memref<128xi32, #tpu.memory_space<vmem>>
      %dma_start3A_64 = arith.constant 0 : i32
      %dma_start3A_65 = arith.constant 0 : i32
      %dma_start3A_66 = tpu.memref_slice %arg2[%dma_start3A_64, %dma_start3A_65] : memref<50000x64xf32, #tpu.memory_space<hbm>> -> memref<50000x64xf32, #tpu.memory_space<hbm>>
      tpu.enqueue_indirect_dma source(%dma_start3A_66 : memref<50000x64xf32, #tpu.memory_space<hbm>>) target(%arg12 : memref<128x64xf32, #tpu.memory_space<vmem>>) offsets(%dma_start3A_63 : memref<128xi32, #tpu.memory_space<vmem>>) semaphore(%arg16 : memref<!tpu.dma_semaphore, #tpu.memory_space<semaphore_mem>>)
      %dma_start3A_67 = arith.constant 256 : i32
      %dma_start3A_68 = tpu.memref_slice %arg7[%dma_start3A_67] : memref<25088xi32, #tpu.memory_space<vmem>> -> memref<128xi32, #tpu.memory_space<vmem>>
      %dma_start3A_69 = arith.constant 0 : i32
      %dma_start3A_70 = arith.constant 0 : i32
      %dma_start3A_71 = tpu.memref_slice %arg3[%dma_start3A_69, %dma_start3A_70] : memref<50000x64xf32, #tpu.memory_space<hbm>> -> memref<50000x64xf32, #tpu.memory_space<hbm>>
      tpu.enqueue_indirect_dma source(%dma_start3A_71 : memref<50000x64xf32, #tpu.memory_space<hbm>>) target(%arg13 : memref<128x64xf32, #tpu.memory_space<vmem>>) offsets(%dma_start3A_68 : memref<128xi32, #tpu.memory_space<vmem>>) semaphore(%arg16 : memref<!tpu.dma_semaphore, #tpu.memory_space<semaphore_mem>>)
    } else {
    }
    %add3A_33 = arith.constant 2 : i32
    %add3A_34 = arith.addi %add3A_4, %add3A_33 : i32
    %jit3A_35 = arith.constant 3 : i32
    %div3A = arith.divsi %add3A_34, %jit3A_35 : i32
    %sign3A = arith.constant 0 : i32
    %sign3A_36 = arith.cmpi sgt, %add3A_34, %sign3A : i32
    %sign3A_37 = arith.extui %sign3A_36 : i1 to i32
    %sign3A_38 = arith.constant 0 : i32
    %sign3A_39 = arith.cmpi slt, %add3A_34, %sign3A_38 : i32
    %sign3A_40 = arith.extui %sign3A_39 : i1 to i32
    %sign3A_41 = arith.subi %sign3A_37, %sign3A_40 : i32
    %sign3A_42 = arith.constant 0 : i32
    %sign3A_43 = arith.cmpi sgt, %jit3A_35, %sign3A_42 : i32
    %sign3A_44 = arith.extui %sign3A_43 : i1 to i32
    %sign3A_45 = arith.constant 0 : i32
    %sign3A_46 = arith.cmpi slt, %jit3A_35, %sign3A_45 : i32
    %sign3A_47 = arith.extui %sign3A_46 : i1 to i32
    %sign3A_48 = arith.subi %sign3A_44, %sign3A_47 : i32
    %ne3A = arith.cmpi ne, %sign3A_41, %sign3A_48 : i32
    %rem3A = arith.remsi %add3A_34, %jit3A_35 : i32
    %ne3A_49 = arith.constant 0 : i32
    %ne3A_50 = arith.cmpi ne, %rem3A, %ne3A_49 : i32
    %and3A = arith.andi %ne3A, %ne3A_50 : i1
    %sub3A = arith.constant 1 : i32
    %sub3A_51 = arith.subi %div3A, %sub3A : i32
    %select_n3A_52 = arith.select %and3A, %sub3A_51, %div3A : i32
    %while3A = arith.constant 0 : i32
    %while3A_53 = arith.constant 0 : i32
    %while3A_54 = arith.subi %select_n3A_52, %while3A_53 : i32
    %while3A_55 = arith.addi %while3A_53, %while3A_54 : i32
    %while3A_56 = arith.constant 1 : i32
    %while3A_57 = arith.divsi %while3A_54, %while3A_56 : i32
    %while3A_58 = arith.muli %while3A_57, %while3A_56 : i32
    %while3A_59 = arith.addi %while3A_53, %while3A_58 : i32
    %while3A_60 = arith.constant 1 : i32
    scf.for %while3A_62 = %while3A_53 to %while3A_59 step %while3A_60  : i32 {
      %mul3A_63 = arith.constant 3 : i32
      %mul3A_64 = arith.muli %mul3A_63, %while3A_62 : i32
      %add3A_65 = arith.constant 0 : i32
      %add3A_66 = arith.addi %mul3A_64, %add3A_65 : i32
      %dma_wait3A = arith.constant 0 : i32
      %dma_wait3A_67 = arith.constant 0 : i32
      %dma_wait3A_68 = tpu.memref_slice %arg2[%dma_wait3A, %dma_wait3A_67] : memref<50000x64xf32, #tpu.memory_space<hbm>> -> memref<128x64xf32, #tpu.memory_space<hbm>>
      %dma_wait3A_69 = arith.constant 0 : i32
      %dma_wait3A_70 = arith.constant 0 : i32
      %dma_wait3A_71 = tpu.memref_slice %arg2[%dma_wait3A_69, %dma_wait3A_70] : memref<50000x64xf32, #tpu.memory_space<hbm>> -> memref<128x64xf32, #tpu.memory_space<hbm>>
      tpu.wait_dma2 semaphore(%arg14 : memref<!tpu.dma_semaphore, #tpu.memory_space<semaphore_mem>>) src(%dma_wait3A_71 : memref<128x64xf32, #tpu.memory_space<hbm>>) dst(%arg8 : memref<128x64xf32, #tpu.memory_space<vmem>>)
      %dma_wait3A_72 = arith.constant 0 : i32
      %dma_wait3A_73 = arith.constant 0 : i32
      %dma_wait3A_74 = tpu.memref_slice %arg2[%dma_wait3A_72, %dma_wait3A_73] : memref<50000x64xf32, #tpu.memory_space<hbm>> -> memref<128x64xf32, #tpu.memory_space<hbm>>
      %dma_wait3A_75 = arith.constant 0 : i32
      %dma_wait3A_76 = arith.constant 0 : i32
      %dma_wait3A_77 = tpu.memref_slice %arg2[%dma_wait3A_75, %dma_wait3A_76] : memref<50000x64xf32, #tpu.memory_space<hbm>> -> memref<128x64xf32, #tpu.memory_space<hbm>>
      tpu.wait_dma2 semaphore(%arg14 : memref<!tpu.dma_semaphore, #tpu.memory_space<semaphore_mem>>) src(%dma_wait3A_77 : memref<128x64xf32, #tpu.memory_space<hbm>>) dst(%arg9 : memref<128x64xf32, #tpu.memory_space<vmem>>)
      %scan3A = arith.constant 0 : i32
      %scan3A_78 = arith.constant 0 : i32
      %scan3A_79 = arith.constant 128 : i32
      %scan3A_80 = arith.addi %scan3A_78, %scan3A_79 : i32
      %scan3A_81 = arith.constant 2 : i32
      scf.for %scan3A_182 = %scan3A_78 to %scan3A_80 step %scan3A_81  : i32 {
        %get3A = arith.index_cast %scan3A_182 : i32 to index
        %get3A_183 = arith.constant 0 : index
        %get3A_184 = tpu.vector_load %arg9[%get3A, %get3A_183] {strides = array<i32>} : memref<128x64xf32, #tpu.memory_space<vmem>>, vector<1x16xf32>,
        %get3A_185 = vector.shape_cast %get3A_184 : vector<1x16xf32> to vector<16xf32>
        %swap3A = arith.index_cast %scan3A_182 : i32 to index
        %swap3A_186 = arith.constant 0 : index
        %swap3A_187 = tpu.vector_load %arg8[%swap3A, %swap3A_186] {strides = array<i32>} : memref<128x64xf32, #tpu.memory_space<vmem>>, vector<1x16xf32>,
        %swap3A_188 = vector.shape_cast %swap3A_187 : vector<1x16xf32> to vector<16xf32>
        %swap3A_189 = vector.shape_cast %get3A_185 : vector<16xf32> to vector<1x16xf32>
        tpu.vector_store %arg8[%swap3A, %swap3A_186], %swap3A_189 {add = true, strides = array<i32>} : memref<128x64xf32, #tpu.memory_space<vmem>>, vector<1x16xf32>,
        %get3A_190 = arith.index_cast %scan3A_182 : i32 to index
        %get3A_191 = arith.constant 16 : index
        %get3A_192 = tpu.vector_load %arg9[%get3A_190, %get3A_191] {strides = array<i32>} : memref<128x64xf32, #tpu.memory_space<vmem>>, vector<1x16xf32>,
        %get3A_193 = vector.shape_cast %get3A_192 : vector<1x16xf32> to vector<16xf32>
        %swap3A_194 = arith.index_cast %scan3A_182 : i32 to index
        %swap3A_195 = arith.constant 16 : index
        %swap3A_196 = tpu.vector_load %arg8[%swap3A_194, %swap3A_195] {strides = array<i32>} : memref<128x64xf32, #tpu.memory_space<vmem>>, vector<1x16xf32>,
        %swap3A_197 = vector.shape_cast %swap3A_196 : vector<1x16xf32> to vector<16xf32>
        %swap3A_198 = vector.shape_cast %get3A_193 : vector<16xf32> to vector<1x16xf32>
        tpu.vector_store %arg8[%swap3A_194, %swap3A_195], %swap3A_198 {add = true, strides = array<i32>} : memref<128x64xf32, #tpu.memory_space<vmem>>, vector<1x16xf32>,
        %get3A_199 = arith.index_cast %scan3A_182 : i32 to index
        %get3A_200 = arith.constant 32 : index
        %get3A_201 = tpu.vector_load %arg9[%get3A_199, %get3A_200] {strides = array<i32>} : memref<128x64xf32, #tpu.memory_space<vmem>>, vector<1x16xf32>,
        %get3A_202 = vector.shape_cast %get3A_201 : vector<1x16xf32> to vector<16xf32>
        %swap3A_203 = arith.index_cast %scan3A_182 : i32 to index
        %swap3A_204 = arith.constant 32 : index
        %swap3A_205 = tpu.vector_load %arg8[%swap3A_203, %swap3A_204] {strides = array<i32>} : memref<128x64xf32, #tpu.memory_space<vmem>>, vector<1x16xf32>,
        %swap3A_206 = vector.shape_cast %swap3A_205 : vector<1x16xf32> to vector<16xf32>
        %swap3A_207 = vector.shape_cast %get3A_202 : vector<16xf32> to vector<1x16xf32>
        tpu.vector_store %arg8[%swap3A_203, %swap3A_204], %swap3A_207 {add = true, strides = array<i32>} : memref<128x64xf32, #tpu.memory_space<vmem>>, vector<1x16xf32>,
        %get3A_208 = arith.index_cast %scan3A_182 : i32 to index
        %get3A_209 = arith.constant 48 : index
        %get3A_210 = tpu.vector_load %arg9[%get3A_208, %get3A_209] {strides = array<i32>} : memref<128x64xf32, #tpu.memory_space<vmem>>, vector<1x16xf32>,
        %get3A_211 = vector.shape_cast %get3A_210 : vector<1x16xf32> to vector<16xf32>
        %swap3A_212 = arith.index_cast %scan3A_182 : i32 to index
        %swap3A_213 = arith.constant 48 : index
        %swap3A_214 = tpu.vector_load %arg8[%swap3A_212, %swap3A_213] {strides = array<i32>} : memref<128x64xf32, #tpu.memory_space<vmem>>, vector<1x16xf32>,
        %swap3A_215 = vector.shape_cast %swap3A_214 : vector<1x16xf32> to vector<16xf32>
        %swap3A_216 = vector.shape_cast %get3A_211 : vector<16xf32> to vector<1x16xf32>
        tpu.vector_store %arg8[%swap3A_212, %swap3A_213], %swap3A_216 {add = true, strides = array<i32>} : memref<128x64xf32, #tpu.memory_space<vmem>>, vector<1x16xf32>,
        %scan3A_217 = arith.constant 1 : i32
        %scan3A_218 = arith.addi %scan3A_182, %scan3A_217 : i32
        %get3A_219 = arith.index_cast %scan3A_218 : i32 to index
        %get3A_220 = arith.constant 0 : index
        %get3A_221 = tpu.vector_load %arg9[%get3A_219, %get3A_220] {strides = array<i32>} : memref<128x64xf32, #tpu.memory_space<vmem>>, vector<1x16xf32>,
        %get3A_222 = vector.shape_cast %get3A_221 : vector<1x16xf32> to vector<16xf32>
        %swap3A_223 = arith.index_cast %scan3A_218 : i32 to index
        %swap3A_224 = arith.constant 0 : index
        %swap3A_225 = tpu.vector_load %arg8[%swap3A_223, %swap3A_224] {strides = array<i32>} : memref<128x64xf32, #tpu.memory_space<vmem>>, vector<1x16xf32>,
        %swap3A_226 = vector.shape_cast %swap3A_225 : vector<1x16xf32> to vector<16xf32>
        %swap3A_227 = vector.shape_cast %get3A_222 : vector<16xf32> to vector<1x16xf32>
        tpu.vector_store %arg8[%swap3A_223, %swap3A_224], %swap3A_227 {add = true, strides = array<i32>} : memref<128x64xf32, #tpu.memory_space<vmem>>, vector<1x16xf32>,
        %get3A_228 = arith.index_cast %scan3A_218 : i32 to index
        %get3A_229 = arith.constant 16 : index
        %get3A_230 = tpu.vector_load %arg9[%get3A_228, %get3A_229] {strides = array<i32>} : memref<128x64xf32, #tpu.memory_space<vmem>>, vector<1x16xf32>,
        %get3A_231 = vector.shape_cast %get3A_230 : vector<1x16xf32> to vector<16xf32>
        %swap3A_232 = arith.index_cast %scan3A_218 : i32 to index
        %swap3A_233 = arith.constant 16 : index
        %swap3A_234 = tpu.vector_load %arg8[%swap3A_232, %swap3A_233] {strides = array<i32>} : memref<128x64xf32, #tpu.memory_space<vmem>>, vector<1x16xf32>,
        %swap3A_235 = vector.shape_cast %swap3A_234 : vector<1x16xf32> to vector<16xf32>
        %swap3A_236 = vector.shape_cast %get3A_231 : vector<16xf32> to vector<1x16xf32>
        tpu.vector_store %arg8[%swap3A_232, %swap3A_233], %swap3A_236 {add = true, strides = array<i32>} : memref<128x64xf32, #tpu.memory_space<vmem>>, vector<1x16xf32>,
        %get3A_237 = arith.index_cast %scan3A_218 : i32 to index
        %get3A_238 = arith.constant 32 : index
        %get3A_239 = tpu.vector_load %arg9[%get3A_237, %get3A_238] {strides = array<i32>} : memref<128x64xf32, #tpu.memory_space<vmem>>, vector<1x16xf32>,
        %get3A_240 = vector.shape_cast %get3A_239 : vector<1x16xf32> to vector<16xf32>
        %swap3A_241 = arith.index_cast %scan3A_218 : i32 to index
        %swap3A_242 = arith.constant 32 : index
        %swap3A_243 = tpu.vector_load %arg8[%swap3A_241, %swap3A_242] {strides = array<i32>} : memref<128x64xf32, #tpu.memory_space<vmem>>, vector<1x16xf32>,
        %swap3A_244 = vector.shape_cast %swap3A_243 : vector<1x16xf32> to vector<16xf32>
        %swap3A_245 = vector.shape_cast %get3A_240 : vector<16xf32> to vector<1x16xf32>
        tpu.vector_store %arg8[%swap3A_241, %swap3A_242], %swap3A_245 {add = true, strides = array<i32>} : memref<128x64xf32, #tpu.memory_space<vmem>>, vector<1x16xf32>,
        %get3A_246 = arith.index_cast %scan3A_218 : i32 to index
        %get3A_247 = arith.constant 48 : index
        %get3A_248 = tpu.vector_load %arg9[%get3A_246, %get3A_247] {strides = array<i32>} : memref<128x64xf32, #tpu.memory_space<vmem>>, vector<1x16xf32>,
        %get3A_249 = vector.shape_cast %get3A_248 : vector<1x16xf32> to vector<16xf32>
        %swap3A_250 = arith.index_cast %scan3A_218 : i32 to index
        %swap3A_251 = arith.constant 48 : index
        %swap3A_252 = tpu.vector_load %arg8[%swap3A_250, %swap3A_251] {strides = array<i32>} : memref<128x64xf32, #tpu.memory_space<vmem>>, vector<1x16xf32>,
        %swap3A_253 = vector.shape_cast %swap3A_252 : vector<1x16xf32> to vector<16xf32>
        %swap3A_254 = vector.shape_cast %get3A_249 : vector<16xf32> to vector<1x16xf32>
        tpu.vector_store %arg8[%swap3A_250, %swap3A_251], %swap3A_254 {add = true, strides = array<i32>} : memref<128x64xf32, #tpu.memory_space<vmem>>, vector<1x16xf32>,
      }
      %scan3A_82 = arith.constant 128 : i32
      %mul3A_83 = arith.constant 128 : i32
      %mul3A_84 = arith.muli %add3A_66, %mul3A_83 : i32
      %add3A_85 = arith.addi %mul3A_10, %mul3A_84 : i32
      %jit3A_86 = arith.constant 6400 : i32
      %div3A_87 = arith.divsi %add3A_85, %jit3A_86 : i32
      %sign3A_88 = arith.constant 0 : i32
      %sign3A_89 = arith.cmpi sgt, %add3A_85, %sign3A_88 : i32
      %sign3A_90 = arith.extui %sign3A_89 : i1 to i32
      %sign3A_91 = arith.constant 0 : i32
      %sign3A_92 = arith.cmpi slt, %add3A_85, %sign3A_91 : i32
      %sign3A_93 = arith.extui %sign3A_92 : i1 to i32
      %sign3A_94 = arith.subi %sign3A_90, %sign3A_93 : i32
      %sign3A_95 = arith.constant 0 : i32
      %sign3A_96 = arith.cmpi sgt, %jit3A_86, %sign3A_95 : i32
      %sign3A_97 = arith.extui %sign3A_96 : i1 to i32
      %sign3A_98 = arith.constant 0 : i32
      %sign3A_99 = arith.cmpi slt, %jit3A_86, %sign3A_98 : i32
      %sign3A_100 = arith.extui %sign3A_99 : i1 to i32
      %sign3A_101 = arith.subi %sign3A_97, %sign3A_100 : i32
      %ne3A_102 = arith.cmpi ne, %sign3A_94, %sign3A_101 : i32
      %rem3A_103 = arith.remsi %add3A_85, %jit3A_86 : i32
      %ne3A_104 = arith.constant 0 : i32
      %ne3A_105 = arith.cmpi ne, %rem3A_103, %ne3A_104 : i32
      %and3A_106 = arith.andi %ne3A_102, %ne3A_105 : i1
      %sub3A_107 = arith.constant 1 : i32
      %sub3A_108 = arith.subi %div3A_87, %sub3A_107 : i32
      %select_n3A_109 = arith.select %and3A_106, %sub3A_108, %div3A_87 : i32
      %mul3A_110 = arith.constant 6400 : i32
      %mul3A_111 = arith.muli %select_n3A_109, %mul3A_110 : i32
      %sub3A_112 = arith.subi %add3A_85, %mul3A_111 : i32
      %jit3A_113 = arith.constant 3200 : i32
      %div3A_114 = arith.divsi %sub3A_112, %jit3A_113 : i32
      %sign3A_115 = arith.constant 0 : i32
      %sign3A_116 = arith.cmpi sgt, %sub3A_112, %sign3A_115 : i32
      %sign3A_117 = arith.extui %sign3A_116 : i1 to i32
      %sign3A_118 = arith.constant 0 : i32
      %sign3A_119 = arith.cmpi slt, %sub3A_112, %sign3A_118 : i32
      %sign3A_120 = arith.extui %sign3A_119 : i1 to i32
      %sign3A_121 = arith.subi %sign3A_117, %sign3A_120 : i32
      %sign3A_122 = arith.constant 0 : i32
      %sign3A_123 = arith.cmpi sgt, %jit3A_113, %sign3A_122 : i32
      %sign3A_124 = arith.extui %sign3A_123 : i1 to i32
      %sign3A_125 = arith.constant 0 : i32
      %sign3A_126 = arith.cmpi slt, %jit3A_113, %sign3A_125 : i32
      %sign3A_127 = arith.extui %sign3A_126 : i1 to i32
      %sign3A_128 = arith.subi %sign3A_124, %sign3A_127 : i32
      %ne3A_129 = arith.cmpi ne, %sign3A_121, %sign3A_128 : i32
      %rem3A_130 = arith.remsi %sub3A_112, %jit3A_113 : i32
      %ne3A_131 = arith.constant 0 : i32
      %ne3A_132 = arith.cmpi ne, %rem3A_130, %ne3A_131 : i32
      %and3A_133 = arith.andi %ne3A_129, %ne3A_132 : i1
      %sub3A_134 = arith.constant 1 : i32
      %sub3A_135 = arith.subi %div3A_114, %sub3A_134 : i32
      %select_n3A_136 = arith.select %and3A_133, %sub3A_135, %div3A_114 : i32
      %mul3A_137 = arith.constant 3200 : i32
      %mul3A_138 = arith.muli %select_n3A_109, %mul3A_137 : i32
      %mul3A_139 = arith.constant 3200 : i32
      %mul3A_140 = arith.muli %select_n3A_136, %mul3A_139 : i32
      %sub3A_141 = arith.subi %sub3A_112, %mul3A_140 : i32
      %add3A_142 = arith.addi %mul3A_138, %sub3A_141 : i32
      %eq3A = arith.constant 0 : i32
      %eq3A_143 = arith.cmpi eq, %select_n3A_136, %eq3A : i32
      %convert_element_type3A_144 = arith.extui %eq3A_143 : i1 to i32
      %cond3A_145 = arith.constant 0 : i32
      %cond3A_146 = arith.cmpi ne, %convert_element_type3A_144, %cond3A_145 : i32
      scf.if %cond3A_146 {
        "tpu.region"() ({
          %run_scoped3A_182 = tpu.sem_alloc : memref<!tpu.dma_semaphore, #tpu.memory_space<semaphore_mem>>
          %dma_start3A_183 = arith.constant 0 : i32
          %dma_start3A_184 = tpu.memref_slice %arg5[%add3A_142, %dma_start3A_183] : memref<400000x128xf32, #tpu.memory_space<hbm>> -> memref<128x64xf32, #tpu.memory_space<hbm>>
          %dma_start3A_185 = arith.constant 0 : i32
          %dma_start3A_186 = tpu.memref_slice %arg5[%add3A_142, %dma_start3A_185] : memref<400000x128xf32, #tpu.memory_space<hbm>> -> memref<128x64xf32, #tpu.memory_space<hbm>>
          tpu.enqueue_dma source(%arg8 : memref<128x64xf32, #tpu.memory_space<vmem>>) target(%dma_start3A_186 : memref<128x64xf32, #tpu.memory_space<hbm>>) target_semaphore(%run_scoped3A_182 : memref<!tpu.dma_semaphore, #tpu.memory_space<semaphore_mem>>)
          %dma_wait3A_187 = arith.constant 0 : i32
          %dma_wait3A_188 = tpu.memref_slice %arg5[%add3A_142, %dma_wait3A_187] : memref<400000x128xf32, #tpu.memory_space<hbm>> -> memref<128x64xf32, #tpu.memory_space<hbm>>
          %dma_wait3A_189 = arith.constant 0 : i32
          %dma_wait3A_190 = tpu.memref_slice %arg5[%add3A_142, %dma_wait3A_189] : memref<400000x128xf32, #tpu.memory_space<hbm>> -> memref<128x64xf32, #tpu.memory_space<hbm>>
          tpu.wait_dma2 semaphore(%run_scoped3A_182 : memref<!tpu.dma_semaphore, #tpu.memory_space<semaphore_mem>>) src(%arg8 : memref<128x64xf32, #tpu.memory_space<vmem>>) dst(%dma_wait3A_190 : memref<128x64xf32, #tpu.memory_space<hbm>>)
          tpu.yield
        }) : () -> ()
      } else {
      }
      %eq3A_147 = arith.constant 1 : i32
      %eq3A_148 = arith.cmpi eq, %select_n3A_136, %eq3A_147 : i32
      %convert_element_type3A_149 = arith.extui %eq3A_148 : i1 to i32
      %cond3A_150 = arith.constant 0 : i32
      %cond3A_151 = arith.cmpi ne, %convert_element_type3A_149, %cond3A_150 : i32
      scf.if %cond3A_151 {
        "tpu.region"() ({
          %run_scoped3A_182 = tpu.sem_alloc : memref<!tpu.dma_semaphore, #tpu.memory_space<semaphore_mem>>
          %dma_start3A_183 = arith.constant 64 : i32
          %dma_start3A_184 = tpu.memref_slice %arg5[%add3A_142, %dma_start3A_183] : memref<400000x128xf32, #tpu.memory_space<hbm>> -> memref<128x64xf32, #tpu.memory_space<hbm>>
          %dma_start3A_185 = arith.constant 64 : i32
          %dma_start3A_186 = tpu.memref_slice %arg5[%add3A_142, %dma_start3A_185] : memref<400000x128xf32, #tpu.memory_space<hbm>> -> memref<128x64xf32, #tpu.memory_space<hbm>>
          tpu.enqueue_dma source(%arg8 : memref<128x64xf32, #tpu.memory_space<vmem>>) target(%dma_start3A_186 : memref<128x64xf32, #tpu.memory_space<hbm>>) target_semaphore(%run_scoped3A_182 : memref<!tpu.dma_semaphore, #tpu.memory_space<semaphore_mem>>)
          %dma_wait3A_187 = arith.constant 64 : i32
          %dma_wait3A_188 = tpu.memref_slice %arg5[%add3A_142, %dma_wait3A_187] : memref<400000x128xf32, #tpu.memory_space<hbm>> -> memref<128x64xf32, #tpu.memory_space<hbm>>
          %dma_wait3A_189 = arith.constant 64 : i32
          %dma_wait3A_190 = tpu.memref_slice %arg5[%add3A_142, %dma_wait3A_189] : memref<400000x128xf32, #tpu.memory_space<hbm>> -> memref<128x64xf32, #tpu.memory_space<hbm>>
          tpu.wait_dma2 semaphore(%run_scoped3A_182 : memref<!tpu.dma_semaphore, #tpu.memory_space<semaphore_mem>>) src(%arg8 : memref<128x64xf32, #tpu.memory_space<vmem>>) dst(%dma_wait3A_190 : memref<128x64xf32, #tpu.memory_space<hbm>>)
          tpu.yield
        }) : () -> ()
      } else {
      }
      %add3A_152 = arith.constant 3 : i32
      %add3A_153 = arith.addi %add3A_66, %add3A_152 : i32
      %lt3A_154 = arith.cmpi slt, %add3A_153, %add3A_4 : i32
      %convert_element_type3A_155 = arith.extui %lt3A_154 : i1 to i32
      %cond3A_156 = arith.constant 0 : i32
      %cond3A_157 = arith.cmpi ne, %convert_element_type3A_155, %cond3A_156 : i32
      scf.if %cond3A_157 {
        %add3A_182 = arith.constant 3 : i32
        %add3A_183 = arith.addi %add3A_66, %add3A_182 : i32
        %mul3A_184 = arith.constant 128 : i32
        %mul3A_185 = arith.muli %add3A_183, %mul3A_184 : i32
        %dma_start3A_186 = tpu.memref_slice %arg6[%mul3A_185] : memref<25088xi32, #tpu.memory_space<vmem>> -> memref<128xi32, #tpu.memory_space<vmem>>
        %dma_start3A_187 = arith.constant 0 : i32
        %dma_start3A_188 = arith.constant 0 : i32
        %dma_start3A_189 = tpu.memref_slice %arg2[%dma_start3A_187, %dma_start3A_188] : memref<50000x64xf32, #tpu.memory_space<hbm>> -> memref<50000x64xf32, #tpu.memory_space<hbm>>
        tpu.enqueue_indirect_dma source(%dma_start3A_189 : memref<50000x64xf32, #tpu.memory_space<hbm>>) target(%arg8 : memref<128x64xf32, #tpu.memory_space<vmem>>) offsets(%dma_start3A_186 : memref<128xi32, #tpu.memory_space<vmem>>) semaphore(%arg14 : memref<!tpu.dma_semaphore, #tpu.memory_space<semaphore_mem>>)
        %dma_start3A_190 = tpu.memref_slice %arg7[%mul3A_185] : memref<25088xi32, #tpu.memory_space<vmem>> -> memref<128xi32, #tpu.memory_space<vmem>>
        %dma_start3A_191 = arith.constant 0 : i32
        %dma_start3A_192 = arith.constant 0 : i32
        %dma_start3A_193 = tpu.memref_slice %arg3[%dma_start3A_191, %dma_start3A_192] : memref<50000x64xf32, #tpu.memory_space<hbm>> -> memref<50000x64xf32, #tpu.memory_space<hbm>>
        tpu.enqueue_indirect_dma source(%dma_start3A_193 : memref<50000x64xf32, #tpu.memory_space<hbm>>) target(%arg9 : memref<128x64xf32, #tpu.memory_space<vmem>>) offsets(%dma_start3A_190 : memref<128xi32, #tpu.memory_space<vmem>>) semaphore(%arg14 : memref<!tpu.dma_semaphore, #tpu.memory_space<semaphore_mem>>)
      } else {
      }
      %add3A_158 = arith.constant 1 : i32
      %add3A_159 = arith.addi %mul3A_64, %add3A_158 : i32
      %lt3A_160 = arith.cmpi slt, %add3A_159, %add3A_4 : i32
      %convert_element_type3A_161 = arith.extui %lt3A_160 : i1 to i32
      %cond3A_162 = arith.constant 0 : i32
      %cond3A_163 = arith.cmpi ne, %convert_element_type3A_161, %cond3A_162 : i32
      scf.if %cond3A_163 {
        %dma_wait3A_182 = arith.constant 0 : i32
        %dma_wait3A_183 = arith.constant 0 : i32
        %dma_wait3A_184 = tpu.memref_slice %arg2[%dma_wait3A_182, %dma_wait3A_183] : memref<50000x64xf32, #tpu.memory_space<hbm>> -> memref<128x64xf32, #tpu.memory_space<hbm>>
        %dma_wait3A_185 = arith.constant 0 : i32
        %dma_wait3A_186 = arith.constant 0 : i32
        %dma_wait3A_187 = tpu.memref_slice %arg2[%dma_wait3A_185, %dma_wait3A_186] : memref<50000x64xf32, #tpu.memory_space<hbm>> -> memref<128x64xf32, #tpu.memory_space<hbm>>
        tpu.wait_dma2 semaphore(%arg15 : memref<!tpu.dma_semaphore, #tpu.memory_space<semaphore_mem>>) src(%dma_wait3A_187 : memref<128x64xf32, #tpu.memory_space<hbm>>) dst(%arg10 : memref<128x64xf32, #tpu.memory_space<vmem>>)
        %dma_wait3A_188 = arith.constant 0 : i32
        %dma_wait3A_189 = arith.constant 0 : i32
        %dma_wait3A_190 = tpu.memref_slice %arg2[%dma_wait3A_188, %dma_wait3A_189] : memref<50000x64xf32, #tpu.memory_space<hbm>> -> memref<128x64xf32, #tpu.memory_space<hbm>>
        %dma_wait3A_191 = arith.constant 0 : i32
        %dma_wait3A_192 = arith.constant 0 : i32
        %dma_wait3A_193 = tpu.memref_slice %arg2[%dma_wait3A_191, %dma_wait3A_192] : memref<50000x64xf32, #tpu.memory_space<hbm>> -> memref<128x64xf32, #tpu.memory_space<hbm>>
        tpu.wait_dma2 semaphore(%arg15 : memref<!tpu.dma_semaphore, #tpu.memory_space<semaphore_mem>>) src(%dma_wait3A_193 : memref<128x64xf32, #tpu.memory_space<hbm>>) dst(%arg11 : memref<128x64xf32, #tpu.memory_space<vmem>>)
        %scan3A_194 = arith.constant 0 : i32
        %scan3A_195 = arith.constant 0 : i32
        %scan3A_196 = arith.constant 128 : i32
        %scan3A_197 = arith.addi %scan3A_195, %scan3A_196 : i32
        %scan3A_198 = arith.constant 2 : i32
        scf.for %scan3A_270 = %scan3A_195 to %scan3A_197 step %scan3A_198  : i32 {
          %get3A = arith.index_cast %scan3A_270 : i32 to index
          %get3A_271 = arith.constant 0 : index
          %get3A_272 = tpu.vector_load %arg11[%get3A, %get3A_271] {strides = array<i32>} : memref<128x64xf32, #tpu.memory_space<vmem>>, vector<1x16xf32>,
          %get3A_273 = vector.shape_cast %get3A_272 : vector<1x16xf32> to vector<16xf32>
          %swap3A = arith.index_cast %scan3A_270 : i32 to index
          %swap3A_274 = arith.constant 0 : index
          %swap3A_275 = tpu.vector_load %arg10[%swap3A, %swap3A_274] {strides = array<i32>} : memref<128x64xf32, #tpu.memory_space<vmem>>, vector<1x16xf32>,
          %swap3A_276 = vector.shape_cast %swap3A_275 : vector<1x16xf32> to vector<16xf32>
          %swap3A_277 = vector.shape_cast %get3A_273 : vector<16xf32> to vector<1x16xf32>
          tpu.vector_store %arg10[%swap3A, %swap3A_274], %swap3A_277 {add = true, strides = array<i32>} : memref<128x64xf32, #tpu.memory_space<vmem>>, vector<1x16xf32>,
          %get3A_278 = arith.index_cast %scan3A_270 : i32 to index
          %get3A_279 = arith.constant 16 : index
          %get3A_280 = tpu.vector_load %arg11[%get3A_278, %get3A_279] {strides = array<i32>} : memref<128x64xf32, #tpu.memory_space<vmem>>, vector<1x16xf32>,
          %get3A_281 = vector.shape_cast %get3A_280 : vector<1x16xf32> to vector<16xf32>
          %swap3A_282 = arith.index_cast %scan3A_270 : i32 to index
          %swap3A_283 = arith.constant 16 : index
          %swap3A_284 = tpu.vector_load %arg10[%swap3A_282, %swap3A_283] {strides = array<i32>} : memref<128x64xf32, #tpu.memory_space<vmem>>, vector<1x16xf32>,
          %swap3A_285 = vector.shape_cast %swap3A_284 : vector<1x16xf32> to vector<16xf32>
          %swap3A_286 = vector.shape_cast %get3A_281 : vector<16xf32> to vector<1x16xf32>
          tpu.vector_store %arg10[%swap3A_282, %swap3A_283], %swap3A_286 {add = true, strides = array<i32>} : memref<128x64xf32, #tpu.memory_space<vmem>>, vector<1x16xf32>,
          %get3A_287 = arith.index_cast %scan3A_270 : i32 to index
          %get3A_288 = arith.constant 32 : index
          %get3A_289 = tpu.vector_load %arg11[%get3A_287, %get3A_288] {strides = array<i32>} : memref<128x64xf32, #tpu.memory_space<vmem>>, vector<1x16xf32>,
          %get3A_290 = vector.shape_cast %get3A_289 : vector<1x16xf32> to vector<16xf32>
          %swap3A_291 = arith.index_cast %scan3A_270 : i32 to index
          %swap3A_292 = arith.constant 32 : index
          %swap3A_293 = tpu.vector_load %arg10[%swap3A_291, %swap3A_292] {strides = array<i32>} : memref<128x64xf32, #tpu.memory_space<vmem>>, vector<1x16xf32>,
          %swap3A_294 = vector.shape_cast %swap3A_293 : vector<1x16xf32> to vector<16xf32>
          %swap3A_295 = vector.shape_cast %get3A_290 : vector<16xf32> to vector<1x16xf32>
          tpu.vector_store %arg10[%swap3A_291, %swap3A_292], %swap3A_295 {add = true, strides = array<i32>} : memref<128x64xf32, #tpu.memory_space<vmem>>, vector<1x16xf32>,
          %get3A_296 = arith.index_cast %scan3A_270 : i32 to index
          %get3A_297 = arith.constant 48 : index
          %get3A_298 = tpu.vector_load %arg11[%get3A_296, %get3A_297] {strides = array<i32>} : memref<128x64xf32, #tpu.memory_space<vmem>>, vector<1x16xf32>,
          %get3A_299 = vector.shape_cast %get3A_298 : vector<1x16xf32> to vector<16xf32>
          %swap3A_300 = arith.index_cast %scan3A_270 : i32 to index
          %swap3A_301 = arith.constant 48 : index
          %swap3A_302 = tpu.vector_load %arg10[%swap3A_300, %swap3A_301] {strides = array<i32>} : memref<128x64xf32, #tpu.memory_space<vmem>>, vector<1x16xf32>,
          %swap3A_303 = vector.shape_cast %swap3A_302 : vector<1x16xf32> to vector<16xf32>
          %swap3A_304 = vector.shape_cast %get3A_299 : vector<16xf32> to vector<1x16xf32>
          tpu.vector_store %arg10[%swap3A_300, %swap3A_301], %swap3A_304 {add = true, strides = array<i32>} : memref<128x64xf32, #tpu.memory_space<vmem>>, vector<1x16xf32>,
          %scan3A_305 = arith.constant 1 : i32
          %scan3A_306 = arith.addi %scan3A_270, %scan3A_305 : i32
          %get3A_307 = arith.index_cast %scan3A_306 : i32 to index
          %get3A_308 = arith.constant 0 : index
          %get3A_309 = tpu.vector_load %arg11[%get3A_307, %get3A_308] {strides = array<i32>} : memref<128x64xf32, #tpu.memory_space<vmem>>, vector<1x16xf32>,
          %get3A_310 = vector.shape_cast %get3A_309 : vector<1x16xf32> to vector<16xf32>
          %swap3A_311 = arith.index_cast %scan3A_306 : i32 to index
          %swap3A_312 = arith.constant 0 : index
          %swap3A_313 = tpu.vector_load %arg10[%swap3A_311, %swap3A_312] {strides = array<i32>} : memref<128x64xf32, #tpu.memory_space<vmem>>, vector<1x16xf32>,
          %swap3A_314 = vector.shape_cast %swap3A_313 : vector<1x16xf32> to vector<16xf32>
          %swap3A_315 = vector.shape_cast %get3A_310 : vector<16xf32> to vector<1x16xf32>
          tpu.vector_store %arg10[%swap3A_311, %swap3A_312], %swap3A_315 {add = true, strides = array<i32>} : memref<128x64xf32, #tpu.memory_space<vmem>>, vector<1x16xf32>,
          %get3A_316 = arith.index_cast %scan3A_306 : i32 to index
          %get3A_317 = arith.constant 16 : index
          %get3A_318 = tpu.vector_load %arg11[%get3A_316, %get3A_317] {strides = array<i32>} : memref<128x64xf32, #tpu.memory_space<vmem>>, vector<1x16xf32>,
          %get3A_319 = vector.shape_cast %get3A_318 : vector<1x16xf32> to vector<16xf32>
          %swap3A_320 = arith.index_cast %scan3A_306 : i32 to index
          %swap3A_321 = arith.constant 16 : index
          %swap3A_322 = tpu.vector_load %arg10[%swap3A_320, %swap3A_321] {strides = array<i32>} : memref<128x64xf32, #tpu.memory_space<vmem>>, vector<1x16xf32>,
          %swap3A_323 = vector.shape_cast %swap3A_322 : vector<1x16xf32> to vector<16xf32>
          %swap3A_324 = vector.shape_cast %get3A_319 : vector<16xf32> to vector<1x16xf32>
          tpu.vector_store %arg10[%swap3A_320, %swap3A_321], %swap3A_324 {add = true, strides = array<i32>} : memref<128x64xf32, #tpu.memory_space<vmem>>, vector<1x16xf32>,
          %get3A_325 = arith.index_cast %scan3A_306 : i32 to index
          %get3A_326 = arith.constant 32 : index
          %get3A_327 = tpu.vector_load %arg11[%get3A_325, %get3A_326] {strides = array<i32>} : memref<128x64xf32, #tpu.memory_space<vmem>>, vector<1x16xf32>,
          %get3A_328 = vector.shape_cast %get3A_327 : vector<1x16xf32> to vector<16xf32>
          %swap3A_329 = arith.index_cast %scan3A_306 : i32 to index
          %swap3A_330 = arith.constant 32 : index
          %swap3A_331 = tpu.vector_load %arg10[%swap3A_329, %swap3A_330] {strides = array<i32>} : memref<128x64xf32, #tpu.memory_space<vmem>>, vector<1x16xf32>,
          %swap3A_332 = vector.shape_cast %swap3A_331 : vector<1x16xf32> to vector<16xf32>
          %swap3A_333 = vector.shape_cast %get3A_328 : vector<16xf32> to vector<1x16xf32>
          tpu.vector_store %arg10[%swap3A_329, %swap3A_330], %swap3A_333 {add = true, strides = array<i32>} : memref<128x64xf32, #tpu.memory_space<vmem>>, vector<1x16xf32>,
          %get3A_334 = arith.index_cast %scan3A_306 : i32 to index
          %get3A_335 = arith.constant 48 : index
          %get3A_336 = tpu.vector_load %arg11[%get3A_334, %get3A_335] {strides = array<i32>} : memref<128x64xf32, #tpu.memory_space<vmem>>, vector<1x16xf32>,
          %get3A_337 = vector.shape_cast %get3A_336 : vector<1x16xf32> to vector<16xf32>
          %swap3A_338 = arith.index_cast %scan3A_306 : i32 to index
          %swap3A_339 = arith.constant 48 : index
          %swap3A_340 = tpu.vector_load %arg10[%swap3A_338, %swap3A_339] {strides = array<i32>} : memref<128x64xf32, #tpu.memory_space<vmem>>, vector<1x16xf32>,
          %swap3A_341 = vector.shape_cast %swap3A_340 : vector<1x16xf32> to vector<16xf32>
          %swap3A_342 = vector.shape_cast %get3A_337 : vector<16xf32> to vector<1x16xf32>
          tpu.vector_store %arg10[%swap3A_338, %swap3A_339], %swap3A_342 {add = true, strides = array<i32>} : memref<128x64xf32, #tpu.memory_space<vmem>>, vector<1x16xf32>,
        }
        %scan3A_199 = arith.constant 128 : i32
        %mul3A_200 = arith.constant 128 : i32
        %mul3A_201 = arith.muli %add3A_159, %mul3A_200 : i32
        %add3A_202 = arith.addi %mul3A_10, %mul3A_201 : i32
        %jit3A_203 = arith.constant 6400 : i32
        %div3A_204 = arith.divsi %add3A_202, %jit3A_203 : i32
        %sign3A_205 = arith.constant 0 : i32
        %sign3A_206 = arith.cmpi sgt, %add3A_202, %sign3A_205 : i32
        %sign3A_207 = arith.extui %sign3A_206 : i1 to i32
        %sign3A_208 = arith.constant 0 : i32
        %sign3A_209 = arith.cmpi slt, %add3A_202, %sign3A_208 : i32
        %sign3A_210 = arith.extui %sign3A_209 : i1 to i32
        %sign3A_211 = arith.subi %sign3A_207, %sign3A_210 : i32
        %sign3A_212 = arith.constant 0 : i32
        %sign3A_213 = arith.cmpi sgt, %jit3A_203, %sign3A_212 : i32
        %sign3A_214 = arith.extui %sign3A_213 : i1 to i32
        %sign3A_215 = arith.constant 0 : i32
        %sign3A_216 = arith.cmpi slt, %jit3A_203, %sign3A_215 : i32
        %sign3A_217 = arith.extui %sign3A_216 : i1 to i32
        %sign3A_218 = arith.subi %sign3A_214, %sign3A_217 : i32
        %ne3A_219 = arith.cmpi ne, %sign3A_211, %sign3A_218 : i32
        %rem3A_220 = arith.remsi %add3A_202, %jit3A_203 : i32
        %ne3A_221 = arith.constant 0 : i32
        %ne3A_222 = arith.cmpi ne, %rem3A_220, %ne3A_221 : i32
        %and3A_223 = arith.andi %ne3A_219, %ne3A_222 : i1
        %sub3A_224 = arith.constant 1 : i32
        %sub3A_225 = arith.subi %div3A_204, %sub3A_224 : i32
        %select_n3A_226 = arith.select %and3A_223, %sub3A_225, %div3A_204 : i32
        %mul3A_227 = arith.constant 6400 : i32
        %mul3A_228 = arith.muli %select_n3A_226, %mul3A_227 : i32
        %sub3A_229 = arith.subi %add3A_202, %mul3A_228 : i32
        %jit3A_230 = arith.constant 3200 : i32
        %div3A_231 = arith.divsi %sub3A_229, %jit3A_230 : i32
        %sign3A_232 = arith.constant 0 : i32
        %sign3A_233 = arith.cmpi sgt, %sub3A_229, %sign3A_232 : i32
        %sign3A_234 = arith.extui %sign3A_233 : i1 to i32
        %sign3A_235 = arith.constant 0 : i32
        %sign3A_236 = arith.cmpi slt, %sub3A_229, %sign3A_235 : i32
        %sign3A_237 = arith.extui %sign3A_236 : i1 to i32
        %sign3A_238 = arith.subi %sign3A_234, %sign3A_237 : i32
        %sign3A_239 = arith.constant 0 : i32
        %sign3A_240 = arith.cmpi sgt, %jit3A_230, %sign3A_239 : i32
        %sign3A_241 = arith.extui %sign3A_240 : i1 to i32
        %sign3A_242 = arith.constant 0 : i32
        %sign3A_243 = arith.cmpi slt, %jit3A_230, %sign3A_242 : i32
        %sign3A_244 = arith.extui %sign3A_243 : i1 to i32
        %sign3A_245 = arith.subi %sign3A_241, %sign3A_244 : i32
        %ne3A_246 = arith.cmpi ne, %sign3A_238, %sign3A_245 : i32
        %rem3A_247 = arith.remsi %sub3A_229, %jit3A_230 : i32
        %ne3A_248 = arith.constant 0 : i32
        %ne3A_249 = arith.cmpi ne, %rem3A_247, %ne3A_248 : i32
        %and3A_250 = arith.andi %ne3A_246, %ne3A_249 : i1
        %sub3A_251 = arith.constant 1 : i32
        %sub3A_252 = arith.subi %div3A_231, %sub3A_251 : i32
        %select_n3A_253 = arith.select %and3A_250, %sub3A_252, %div3A_231 : i32
        %mul3A_254 = arith.constant 3200 : i32
        %mul3A_255 = arith.muli %select_n3A_226, %mul3A_254 : i32
        %mul3A_256 = arith.constant 3200 : i32
        %mul3A_257 = arith.muli %select_n3A_253, %mul3A_256 : i32
        %sub3A_258 = arith.subi %sub3A_229, %mul3A_257 : i32
        %add3A_259 = arith.addi %mul3A_255, %sub3A_258 : i32
        %eq3A_260 = arith.constant 0 : i32
        %eq3A_261 = arith.cmpi eq, %select_n3A_253, %eq3A_260 : i32
        %convert_element_type3A_262 = arith.extui %eq3A_261 : i1 to i32
        %cond3A_263 = arith.constant 0 : i32
        %cond3A_264 = arith.cmpi ne, %convert_element_type3A_262, %cond3A_263 : i32
        scf.if %cond3A_264 {
          "tpu.region"() ({
            %run_scoped3A_270 = tpu.sem_alloc : memref<!tpu.dma_semaphore, #tpu.memory_space<semaphore_mem>>
            %dma_start3A_271 = arith.constant 0 : i32
            %dma_start3A_272 = tpu.memref_slice %arg5[%add3A_259, %dma_start3A_271] : memref<400000x128xf32, #tpu.memory_space<hbm>> -> memref<128x64xf32, #tpu.memory_space<hbm>>
            %dma_start3A_273 = arith.constant 0 : i32
            %dma_start3A_274 = tpu.memref_slice %arg5[%add3A_259, %dma_start3A_273] : memref<400000x128xf32, #tpu.memory_space<hbm>> -> memref<128x64xf32, #tpu.memory_space<hbm>>
            tpu.enqueue_dma source(%arg10 : memref<128x64xf32, #tpu.memory_space<vmem>>) target(%dma_start3A_274 : memref<128x64xf32, #tpu.memory_space<hbm>>) target_semaphore(%run_scoped3A_270 : memref<!tpu.dma_semaphore, #tpu.memory_space<semaphore_mem>>)
            %dma_wait3A_275 = arith.constant 0 : i32
            %dma_wait3A_276 = tpu.memref_slice %arg5[%add3A_259, %dma_wait3A_275] : memref<400000x128xf32, #tpu.memory_space<hbm>> -> memref<128x64xf32, #tpu.memory_space<hbm>>
            %dma_wait3A_277 = arith.constant 0 : i32
            %dma_wait3A_278 = tpu.memref_slice %arg5[%add3A_259, %dma_wait3A_277] : memref<400000x128xf32, #tpu.memory_space<hbm>> -> memref<128x64xf32, #tpu.memory_space<hbm>>
            tpu.wait_dma2 semaphore(%run_scoped3A_270 : memref<!tpu.dma_semaphore, #tpu.memory_space<semaphore_mem>>) src(%arg10 : memref<128x64xf32, #tpu.memory_space<vmem>>) dst(%dma_wait3A_278 : memref<128x64xf32, #tpu.memory_space<hbm>>)
            tpu.yield
          }) : () -> ()
        } else {
        }
        %eq3A_265 = arith.constant 1 : i32
        %eq3A_266 = arith.cmpi eq, %select_n3A_253, %eq3A_265 : i32
        %convert_element_type3A_267 = arith.extui %eq3A_266 : i1 to i32
        %cond3A_268 = arith.constant 0 : i32
        %cond3A_269 = arith.cmpi ne, %convert_element_type3A_267, %cond3A_268 : i32
        scf.if %cond3A_269 {
          "tpu.region"() ({
            %run_scoped3A_270 = tpu.sem_alloc : memref<!tpu.dma_semaphore, #tpu.memory_space<semaphore_mem>>
            %dma_start3A_271 = arith.constant 64 : i32
            %dma_start3A_272 = tpu.memref_slice %arg5[%add3A_259, %dma_start3A_271] : memref<400000x128xf32, #tpu.memory_space<hbm>> -> memref<128x64xf32, #tpu.memory_space<hbm>>
            %dma_start3A_273 = arith.constant 64 : i32
            %dma_start3A_274 = tpu.memref_slice %arg5[%add3A_259, %dma_start3A_273] : memref<400000x128xf32, #tpu.memory_space<hbm>> -> memref<128x64xf32, #tpu.memory_space<hbm>>
            tpu.enqueue_dma source(%arg10 : memref<128x64xf32, #tpu.memory_space<vmem>>) target(%dma_start3A_274 : memref<128x64xf32, #tpu.memory_space<hbm>>) target_semaphore(%run_scoped3A_270 : memref<!tpu.dma_semaphore, #tpu.memory_space<semaphore_mem>>)
            %dma_wait3A_275 = arith.constant 64 : i32
            %dma_wait3A_276 = tpu.memref_slice %arg5[%add3A_259, %dma_wait3A_275] : memref<400000x128xf32, #tpu.memory_space<hbm>> -> memref<128x64xf32, #tpu.memory_space<hbm>>
            %dma_wait3A_277 = arith.constant 64 : i32
            %dma_wait3A_278 = tpu.memref_slice %arg5[%add3A_259, %dma_wait3A_277] : memref<400000x128xf32, #tpu.memory_space<hbm>> -> memref<128x64xf32, #tpu.memory_space<hbm>>
            tpu.wait_dma2 semaphore(%run_scoped3A_270 : memref<!tpu.dma_semaphore, #tpu.memory_space<semaphore_mem>>) src(%arg10 : memref<128x64xf32, #tpu.memory_space<vmem>>) dst(%dma_wait3A_278 : memref<128x64xf32, #tpu.memory_space<hbm>>)
            tpu.yield
          }) : () -> ()
        } else {
        }
      } else {
      }
      %add3A_164 = arith.constant 3 : i32
      %add3A_165 = arith.addi %add3A_159, %add3A_164 : i32
      %lt3A_166 = arith.cmpi slt, %add3A_165, %add3A_4 : i32
      %convert_element_type3A_167 = arith.extui %lt3A_166 : i1 to i32
      %cond3A_168 = arith.constant 0 : i32
      %cond3A_169 = arith.cmpi ne, %convert_element_type3A_167, %cond3A_168 : i32
      scf.if %cond3A_169 {
        %add3A_182 = arith.constant 3 : i32
        %add3A_183 = arith.addi %add3A_159, %add3A_182 : i32
        %mul3A_184 = arith.constant 128 : i32
        %mul3A_185 = arith.muli %add3A_183, %mul3A_184 : i32
        %dma_start3A_186 = tpu.memref_slice %arg6[%mul3A_185] : memref<25088xi32, #tpu.memory_space<vmem>> -> memref<128xi32, #tpu.memory_space<vmem>>
        %dma_start3A_187 = arith.constant 0 : i32
        %dma_start3A_188 = arith.constant 0 : i32
        %dma_start3A_189 = tpu.memref_slice %arg2[%dma_start3A_187, %dma_start3A_188] : memref<50000x64xf32, #tpu.memory_space<hbm>> -> memref<50000x64xf32, #tpu.memory_space<hbm>>
        tpu.enqueue_indirect_dma source(%dma_start3A_189 : memref<50000x64xf32, #tpu.memory_space<hbm>>) target(%arg10 : memref<128x64xf32, #tpu.memory_space<vmem>>) offsets(%dma_start3A_186 : memref<128xi32, #tpu.memory_space<vmem>>) semaphore(%arg15 : memref<!tpu.dma_semaphore, #tpu.memory_space<semaphore_mem>>)
        %dma_start3A_190 = tpu.memref_slice %arg7[%mul3A_185] : memref<25088xi32, #tpu.memory_space<vmem>> -> memref<128xi32, #tpu.memory_space<vmem>>
        %dma_start3A_191 = arith.constant 0 : i32
        %dma_start3A_192 = arith.constant 0 : i32
        %dma_start3A_193 = tpu.memref_slice %arg3[%dma_start3A_191, %dma_start3A_192] : memref<50000x64xf32, #tpu.memory_space<hbm>> -> memref<50000x64xf32, #tpu.memory_space<hbm>>
        tpu.enqueue_indirect_dma source(%dma_start3A_193 : memref<50000x64xf32, #tpu.memory_space<hbm>>) target(%arg11 : memref<128x64xf32, #tpu.memory_space<vmem>>) offsets(%dma_start3A_190 : memref<128xi32, #tpu.memory_space<vmem>>) semaphore(%arg15 : memref<!tpu.dma_semaphore, #tpu.memory_space<semaphore_mem>>)
      } else {
      }
      %add3A_170 = arith.constant 2 : i32
      %add3A_171 = arith.addi %mul3A_64, %add3A_170 : i32
      %lt3A_172 = arith.cmpi slt, %add3A_171, %add3A_4 : i32
      %convert_element_type3A_173 = arith.extui %lt3A_172 : i1 to i32
      %cond3A_174 = arith.constant 0 : i32
      %cond3A_175 = arith.cmpi ne, %convert_element_type3A_173, %cond3A_174 : i32
      scf.if %cond3A_175 {
        %dma_wait3A_182 = arith.constant 0 : i32
        %dma_wait3A_183 = arith.constant 0 : i32
        %dma_wait3A_184 = tpu.memref_slice %arg2[%dma_wait3A_182, %dma_wait3A_183] : memref<50000x64xf32, #tpu.memory_space<hbm>> -> memref<128x64xf32, #tpu.memory_space<hbm>>
        %dma_wait3A_185 = arith.constant 0 : i32
        %dma_wait3A_186 = arith.constant 0 : i32
        %dma_wait3A_187 = tpu.memref_slice %arg2[%dma_wait3A_185, %dma_wait3A_186] : memref<50000x64xf32, #tpu.memory_space<hbm>> -> memref<128x64xf32, #tpu.memory_space<hbm>>
        tpu.wait_dma2 semaphore(%arg16 : memref<!tpu.dma_semaphore, #tpu.memory_space<semaphore_mem>>) src(%dma_wait3A_187 : memref<128x64xf32, #tpu.memory_space<hbm>>) dst(%arg12 : memref<128x64xf32, #tpu.memory_space<vmem>>)
        %dma_wait3A_188 = arith.constant 0 : i32
        %dma_wait3A_189 = arith.constant 0 : i32
        %dma_wait3A_190 = tpu.memref_slice %arg2[%dma_wait3A_188, %dma_wait3A_189] : memref<50000x64xf32, #tpu.memory_space<hbm>> -> memref<128x64xf32, #tpu.memory_space<hbm>>
        %dma_wait3A_191 = arith.constant 0 : i32
        %dma_wait3A_192 = arith.constant 0 : i32
        %dma_wait3A_193 = tpu.memref_slice %arg2[%dma_wait3A_191, %dma_wait3A_192] : memref<50000x64xf32, #tpu.memory_space<hbm>> -> memref<128x64xf32, #tpu.memory_space<hbm>>
        tpu.wait_dma2 semaphore(%arg16 : memref<!tpu.dma_semaphore, #tpu.memory_space<semaphore_mem>>) src(%dma_wait3A_193 : memref<128x64xf32, #tpu.memory_space<hbm>>) dst(%arg13 : memref<128x64xf32, #tpu.memory_space<vmem>>)
        %scan3A_194 = arith.constant 0 : i32
        %scan3A_195 = arith.constant 0 : i32
        %scan3A_196 = arith.constant 128 : i32
        %scan3A_197 = arith.addi %scan3A_195, %scan3A_196 : i32
        %scan3A_198 = arith.constant 2 : i32
        scf.for %scan3A_270 = %scan3A_195 to %scan3A_197 step %scan3A_198  : i32 {
          %get3A = arith.index_cast %scan3A_270 : i32 to index
          %get3A_271 = arith.constant 0 : index
          %get3A_272 = tpu.vector_load %arg13[%get3A, %get3A_271] {strides = array<i32>} : memref<128x64xf32, #tpu.memory_space<vmem>>, vector<1x16xf32>,
          %get3A_273 = vector.shape_cast %get3A_272 : vector<1x16xf32> to vector<16xf32>
          %swap3A = arith.index_cast %scan3A_270 : i32 to index
          %swap3A_274 = arith.constant 0 : index
          %swap3A_275 = tpu.vector_load %arg12[%swap3A, %swap3A_274] {strides = array<i32>} : memref<128x64xf32, #tpu.memory_space<vmem>>, vector<1x16xf32>,
          %swap3A_276 = vector.shape_cast %swap3A_275 : vector<1x16xf32> to vector<16xf32>
          %swap3A_277 = vector.shape_cast %get3A_273 : vector<16xf32> to vector<1x16xf32>
          tpu.vector_store %arg12[%swap3A, %swap3A_274], %swap3A_277 {add = true, strides = array<i32>} : memref<128x64xf32, #tpu.memory_space<vmem>>, vector<1x16xf32>,
          %get3A_278 = arith.index_cast %scan3A_270 : i32 to index
          %get3A_279 = arith.constant 16 : index
          %get3A_280 = tpu.vector_load %arg13[%get3A_278, %get3A_279] {strides = array<i32>} : memref<128x64xf32, #tpu.memory_space<vmem>>, vector<1x16xf32>,
          %get3A_281 = vector.shape_cast %get3A_280 : vector<1x16xf32> to vector<16xf32>
          %swap3A_282 = arith.index_cast %scan3A_270 : i32 to index
          %swap3A_283 = arith.constant 16 : index
          %swap3A_284 = tpu.vector_load %arg12[%swap3A_282, %swap3A_283] {strides = array<i32>} : memref<128x64xf32, #tpu.memory_space<vmem>>, vector<1x16xf32>,
          %swap3A_285 = vector.shape_cast %swap3A_284 : vector<1x16xf32> to vector<16xf32>
          %swap3A_286 = vector.shape_cast %get3A_281 : vector<16xf32> to vector<1x16xf32>
          tpu.vector_store %arg12[%swap3A_282, %swap3A_283], %swap3A_286 {add = true, strides = array<i32>} : memref<128x64xf32, #tpu.memory_space<vmem>>, vector<1x16xf32>,
          %get3A_287 = arith.index_cast %scan3A_270 : i32 to index
          %get3A_288 = arith.constant 32 : index
          %get3A_289 = tpu.vector_load %arg13[%get3A_287, %get3A_288] {strides = array<i32>} : memref<128x64xf32, #tpu.memory_space<vmem>>, vector<1x16xf32>,
          %get3A_290 = vector.shape_cast %get3A_289 : vector<1x16xf32> to vector<16xf32>
          %swap3A_291 = arith.index_cast %scan3A_270 : i32 to index
          %swap3A_292 = arith.constant 32 : index
          %swap3A_293 = tpu.vector_load %arg12[%swap3A_291, %swap3A_292] {strides = array<i32>} : memref<128x64xf32, #tpu.memory_space<vmem>>, vector<1x16xf32>,
          %swap3A_294 = vector.shape_cast %swap3A_293 : vector<1x16xf32> to vector<16xf32>
          %swap3A_295 = vector.shape_cast %get3A_290 : vector<16xf32> to vector<1x16xf32>
          tpu.vector_store %arg12[%swap3A_291, %swap3A_292], %swap3A_295 {add = true, strides = array<i32>} : memref<128x64xf32, #tpu.memory_space<vmem>>, vector<1x16xf32>,
          %get3A_296 = arith.index_cast %scan3A_270 : i32 to index
          %get3A_297 = arith.constant 48 : index
          %get3A_298 = tpu.vector_load %arg13[%get3A_296, %get3A_297] {strides = array<i32>} : memref<128x64xf32, #tpu.memory_space<vmem>>, vector<1x16xf32>,
          %get3A_299 = vector.shape_cast %get3A_298 : vector<1x16xf32> to vector<16xf32>
          %swap3A_300 = arith.index_cast %scan3A_270 : i32 to index
          %swap3A_301 = arith.constant 48 : index
          %swap3A_302 = tpu.vector_load %arg12[%swap3A_300, %swap3A_301] {strides = array<i32>} : memref<128x64xf32, #tpu.memory_space<vmem>>, vector<1x16xf32>,
          %swap3A_303 = vector.shape_cast %swap3A_302 : vector<1x16xf32> to vector<16xf32>
          %swap3A_304 = vector.shape_cast %get3A_299 : vector<16xf32> to vector<1x16xf32>
          tpu.vector_store %arg12[%swap3A_300, %swap3A_301], %swap3A_304 {add = true, strides = array<i32>} : memref<128x64xf32, #tpu.memory_space<vmem>>, vector<1x16xf32>,
          %scan3A_305 = arith.constant 1 : i32
          %scan3A_306 = arith.addi %scan3A_270, %scan3A_305 : i32
          %get3A_307 = arith.index_cast %scan3A_306 : i32 to index
          %get3A_308 = arith.constant 0 : index
          %get3A_309 = tpu.vector_load %arg13[%get3A_307, %get3A_308] {strides = array<i32>} : memref<128x64xf32, #tpu.memory_space<vmem>>, vector<1x16xf32>,
          %get3A_310 = vector.shape_cast %get3A_309 : vector<1x16xf32> to vector<16xf32>
          %swap3A_311 = arith.index_cast %scan3A_306 : i32 to index
          %swap3A_312 = arith.constant 0 : index
          %swap3A_313 = tpu.vector_load %arg12[%swap3A_311, %swap3A_312] {strides = array<i32>} : memref<128x64xf32, #tpu.memory_space<vmem>>, vector<1x16xf32>,
          %swap3A_314 = vector.shape_cast %swap3A_313 : vector<1x16xf32> to vector<16xf32>
          %swap3A_315 = vector.shape_cast %get3A_310 : vector<16xf32> to vector<1x16xf32>
          tpu.vector_store %arg12[%swap3A_311, %swap3A_312], %swap3A_315 {add = true, strides = array<i32>} : memref<128x64xf32, #tpu.memory_space<vmem>>, vector<1x16xf32>,
          %get3A_316 = arith.index_cast %scan3A_306 : i32 to index
          %get3A_317 = arith.constant 16 : index
          %get3A_318 = tpu.vector_load %arg13[%get3A_316, %get3A_317] {strides = array<i32>} : memref<128x64xf32, #tpu.memory_space<vmem>>, vector<1x16xf32>,
          %get3A_319 = vector.shape_cast %get3A_318 : vector<1x16xf32> to vector<16xf32>
          %swap3A_320 = arith.index_cast %scan3A_306 : i32 to index
          %swap3A_321 = arith.constant 16 : index
          %swap3A_322 = tpu.vector_load %arg12[%swap3A_320, %swap3A_321] {strides = array<i32>} : memref<128x64xf32, #tpu.memory_space<vmem>>, vector<1x16xf32>,
          %swap3A_323 = vector.shape_cast %swap3A_322 : vector<1x16xf32> to vector<16xf32>
          %swap3A_324 = vector.shape_cast %get3A_319 : vector<16xf32> to vector<1x16xf32>
          tpu.vector_store %arg12[%swap3A_320, %swap3A_321], %swap3A_324 {add = true, strides = array<i32>} : memref<128x64xf32, #tpu.memory_space<vmem>>, vector<1x16xf32>,
          %get3A_325 = arith.index_cast %scan3A_306 : i32 to index
          %get3A_326 = arith.constant 32 : index
          %get3A_327 = tpu.vector_load %arg13[%get3A_325, %get3A_326] {strides = array<i32>} : memref<128x64xf32, #tpu.memory_space<vmem>>, vector<1x16xf32>,
          %get3A_328 = vector.shape_cast %get3A_327 : vector<1x16xf32> to vector<16xf32>
          %swap3A_329 = arith.index_cast %scan3A_306 : i32 to index
          %swap3A_330 = arith.constant 32 : index
          %swap3A_331 = tpu.vector_load %arg12[%swap3A_329, %swap3A_330] {strides = array<i32>} : memref<128x64xf32, #tpu.memory_space<vmem>>, vector<1x16xf32>,
          %swap3A_332 = vector.shape_cast %swap3A_331 : vector<1x16xf32> to vector<16xf32>
          %swap3A_333 = vector.shape_cast %get3A_328 : vector<16xf32> to vector<1x16xf32>
          tpu.vector_store %arg12[%swap3A_329, %swap3A_330], %swap3A_333 {add = true, strides = array<i32>} : memref<128x64xf32, #tpu.memory_space<vmem>>, vector<1x16xf32>,
          %get3A_334 = arith.index_cast %scan3A_306 : i32 to index
          %get3A_335 = arith.constant 48 : index
          %get3A_336 = tpu.vector_load %arg13[%get3A_334, %get3A_335] {strides = array<i32>} : memref<128x64xf32, #tpu.memory_space<vmem>>, vector<1x16xf32>,
          %get3A_337 = vector.shape_cast %get3A_336 : vector<1x16xf32> to vector<16xf32>
          %swap3A_338 = arith.index_cast %scan3A_306 : i32 to index
          %swap3A_339 = arith.constant 48 : index
          %swap3A_340 = tpu.vector_load %arg12[%swap3A_338, %swap3A_339] {strides = array<i32>} : memref<128x64xf32, #tpu.memory_space<vmem>>, vector<1x16xf32>,
          %swap3A_341 = vector.shape_cast %swap3A_340 : vector<1x16xf32> to vector<16xf32>
          %swap3A_342 = vector.shape_cast %get3A_337 : vector<16xf32> to vector<1x16xf32>
          tpu.vector_store %arg12[%swap3A_338, %swap3A_339], %swap3A_342 {add = true, strides = array<i32>} : memref<128x64xf32, #tpu.memory_space<vmem>>, vector<1x16xf32>,
        }
        %scan3A_199 = arith.constant 128 : i32
        %mul3A_200 = arith.constant 128 : i32
        %mul3A_201 = arith.muli %add3A_171, %mul3A_200 : i32
        %add3A_202 = arith.addi %mul3A_10, %mul3A_201 : i32
        %jit3A_203 = arith.constant 6400 : i32
        %div3A_204 = arith.divsi %add3A_202, %jit3A_203 : i32
        %sign3A_205 = arith.constant 0 : i32
        %sign3A_206 = arith.cmpi sgt, %add3A_202, %sign3A_205 : i32
        %sign3A_207 = arith.extui %sign3A_206 : i1 to i32
        %sign3A_208 = arith.constant 0 : i32
        %sign3A_209 = arith.cmpi slt, %add3A_202, %sign3A_208 : i32
        %sign3A_210 = arith.extui %sign3A_209 : i1 to i32
        %sign3A_211 = arith.subi %sign3A_207, %sign3A_210 : i32
        %sign3A_212 = arith.constant 0 : i32
        %sign3A_213 = arith.cmpi sgt, %jit3A_203, %sign3A_212 : i32
        %sign3A_214 = arith.extui %sign3A_213 : i1 to i32
        %sign3A_215 = arith.constant 0 : i32
        %sign3A_216 = arith.cmpi slt, %jit3A_203, %sign3A_215 : i32
        %sign3A_217 = arith.extui %sign3A_216 : i1 to i32
        %sign3A_218 = arith.subi %sign3A_214, %sign3A_217 : i32
        %ne3A_219 = arith.cmpi ne, %sign3A_211, %sign3A_218 : i32
        %rem3A_220 = arith.remsi %add3A_202, %jit3A_203 : i32
        %ne3A_221 = arith.constant 0 : i32
        %ne3A_222 = arith.cmpi ne, %rem3A_220, %ne3A_221 : i32
        %and3A_223 = arith.andi %ne3A_219, %ne3A_222 : i1
        %sub3A_224 = arith.constant 1 : i32
        %sub3A_225 = arith.subi %div3A_204, %sub3A_224 : i32
        %select_n3A_226 = arith.select %and3A_223, %sub3A_225, %div3A_204 : i32
        %mul3A_227 = arith.constant 6400 : i32
        %mul3A_228 = arith.muli %select_n3A_226, %mul3A_227 : i32
        %sub3A_229 = arith.subi %add3A_202, %mul3A_228 : i32
        %jit3A_230 = arith.constant 3200 : i32
        %div3A_231 = arith.divsi %sub3A_229, %jit3A_230 : i32
        %sign3A_232 = arith.constant 0 : i32
        %sign3A_233 = arith.cmpi sgt, %sub3A_229, %sign3A_232 : i32
        %sign3A_234 = arith.extui %sign3A_233 : i1 to i32
        %sign3A_235 = arith.constant 0 : i32
        %sign3A_236 = arith.cmpi slt, %sub3A_229, %sign3A_235 : i32
        %sign3A_237 = arith.extui %sign3A_236 : i1 to i32
        %sign3A_238 = arith.subi %sign3A_234, %sign3A_237 : i32
        %sign3A_239 = arith.constant 0 : i32
        %sign3A_240 = arith.cmpi sgt, %jit3A_230, %sign3A_239 : i32
        %sign3A_241 = arith.extui %sign3A_240 : i1 to i32
        %sign3A_242 = arith.constant 0 : i32
        %sign3A_243 = arith.cmpi slt, %jit3A_230, %sign3A_242 : i32
        %sign3A_244 = arith.extui %sign3A_243 : i1 to i32
        %sign3A_245 = arith.subi %sign3A_241, %sign3A_244 : i32
        %ne3A_246 = arith.cmpi ne, %sign3A_238, %sign3A_245 : i32
        %rem3A_247 = arith.remsi %sub3A_229, %jit3A_230 : i32
        %ne3A_248 = arith.constant 0 : i32
        %ne3A_249 = arith.cmpi ne, %rem3A_247, %ne3A_248 : i32
        %and3A_250 = arith.andi %ne3A_246, %ne3A_249 : i1
        %sub3A_251 = arith.constant 1 : i32
        %sub3A_252 = arith.subi %div3A_231, %sub3A_251 : i32
        %select_n3A_253 = arith.select %and3A_250, %sub3A_252, %div3A_231 : i32
        %mul3A_254 = arith.constant 3200 : i32
        %mul3A_255 = arith.muli %select_n3A_226, %mul3A_254 : i32
        %mul3A_256 = arith.constant 3200 : i32
        %mul3A_257 = arith.muli %select_n3A_253, %mul3A_256 : i32
        %sub3A_258 = arith.subi %sub3A_229, %mul3A_257 : i32
        %add3A_259 = arith.addi %mul3A_255, %sub3A_258 : i32
        %eq3A_260 = arith.constant 0 : i32
        %eq3A_261 = arith.cmpi eq, %select_n3A_253, %eq3A_260 : i32
        %convert_element_type3A_262 = arith.extui %eq3A_261 : i1 to i32
        %cond3A_263 = arith.constant 0 : i32
        %cond3A_264 = arith.cmpi ne, %convert_element_type3A_262, %cond3A_263 : i32
        scf.if %cond3A_264 {
          "tpu.region"() ({
            %run_scoped3A_270 = tpu.sem_alloc : memref<!tpu.dma_semaphore, #tpu.memory_space<semaphore_mem>>
            %dma_start3A_271 = arith.constant 0 : i32
            %dma_start3A_272 = tpu.memref_slice %arg5[%add3A_259, %dma_start3A_271] : memref<400000x128xf32, #tpu.memory_space<hbm>> -> memref<128x64xf32, #tpu.memory_space<hbm>>
            %dma_start3A_273 = arith.constant 0 : i32
            %dma_start3A_274 = tpu.memref_slice %arg5[%add3A_259, %dma_start3A_273] : memref<400000x128xf32, #tpu.memory_space<hbm>> -> memref<128x64xf32, #tpu.memory_space<hbm>>
            tpu.enqueue_dma source(%arg12 : memref<128x64xf32, #tpu.memory_space<vmem>>) target(%dma_start3A_274 : memref<128x64xf32, #tpu.memory_space<hbm>>) target_semaphore(%run_scoped3A_270 : memref<!tpu.dma_semaphore, #tpu.memory_space<semaphore_mem>>)
            %dma_wait3A_275 = arith.constant 0 : i32
            %dma_wait3A_276 = tpu.memref_slice %arg5[%add3A_259, %dma_wait3A_275] : memref<400000x128xf32, #tpu.memory_space<hbm>> -> memref<128x64xf32, #tpu.memory_space<hbm>>
            %dma_wait3A_277 = arith.constant 0 : i32
            %dma_wait3A_278 = tpu.memref_slice %arg5[%add3A_259, %dma_wait3A_277] : memref<400000x128xf32, #tpu.memory_space<hbm>> -> memref<128x64xf32, #tpu.memory_space<hbm>>
            tpu.wait_dma2 semaphore(%run_scoped3A_270 : memref<!tpu.dma_semaphore, #tpu.memory_space<semaphore_mem>>) src(%arg12 : memref<128x64xf32, #tpu.memory_space<vmem>>) dst(%dma_wait3A_278 : memref<128x64xf32, #tpu.memory_space<hbm>>)
            tpu.yield
          }) : () -> ()
        } else {
        }
        %eq3A_265 = arith.constant 1 : i32
        %eq3A_266 = arith.cmpi eq, %select_n3A_253, %eq3A_265 : i32
        %convert_element_type3A_267 = arith.extui %eq3A_266 : i1 to i32
        %cond3A_268 = arith.constant 0 : i32
        %cond3A_269 = arith.cmpi ne, %convert_element_type3A_267, %cond3A_268 : i32
        scf.if %cond3A_269 {
          "tpu.region"() ({
            %run_scoped3A_270 = tpu.sem_alloc : memref<!tpu.dma_semaphore, #tpu.memory_space<semaphore_mem>>
            %dma_start3A_271 = arith.constant 64 : i32
            %dma_start3A_272 = tpu.memref_slice %arg5[%add3A_259, %dma_start3A_271] : memref<400000x128xf32, #tpu.memory_space<hbm>> -> memref<128x64xf32, #tpu.memory_space<hbm>>
            %dma_start3A_273 = arith.constant 64 : i32
            %dma_start3A_274 = tpu.memref_slice %arg5[%add3A_259, %dma_start3A_273] : memref<400000x128xf32, #tpu.memory_space<hbm>> -> memref<128x64xf32, #tpu.memory_space<hbm>>
            tpu.enqueue_dma source(%arg12 : memref<128x64xf32, #tpu.memory_space<vmem>>) target(%dma_start3A_274 : memref<128x64xf32, #tpu.memory_space<hbm>>) target_semaphore(%run_scoped3A_270 : memref<!tpu.dma_semaphore, #tpu.memory_space<semaphore_mem>>)
            %dma_wait3A_275 = arith.constant 64 : i32
            %dma_wait3A_276 = tpu.memref_slice %arg5[%add3A_259, %dma_wait3A_275] : memref<400000x128xf32, #tpu.memory_space<hbm>> -> memref<128x64xf32, #tpu.memory_space<hbm>>
            %dma_wait3A_277 = arith.constant 64 : i32
            %dma_wait3A_278 = tpu.memref_slice %arg5[%add3A_259, %dma_wait3A_277] : memref<400000x128xf32, #tpu.memory_space<hbm>> -> memref<128x64xf32, #tpu.memory_space<hbm>>
            tpu.wait_dma2 semaphore(%run_scoped3A_270 : memref<!tpu.dma_semaphore, #tpu.memory_space<semaphore_mem>>) src(%arg12 : memref<128x64xf32, #tpu.memory_space<vmem>>) dst(%dma_wait3A_278 : memref<128x64xf32, #tpu.memory_space<hbm>>)
            tpu.yield
          }) : () -> ()
        } else {
        }
      } else {
      }
      %add3A_176 = arith.constant 3 : i32
      %add3A_177 = arith.addi %add3A_171, %add3A_176 : i32
      %lt3A_178 = arith.cmpi slt, %add3A_177, %add3A_4 : i32
      %convert_element_type3A_179 = arith.extui %lt3A_178 : i1 to i32
      %cond3A_180 = arith.constant 0 : i32
      %cond3A_181 = arith.cmpi ne, %convert_element_type3A_179, %cond3A_180 : i32
      scf.if %cond3A_181 {
        %add3A_182 = arith.constant 3 : i32
        %add3A_183 = arith.addi %add3A_171, %add3A_182 : i32
        %mul3A_184 = arith.constant 128 : i32
        %mul3A_185 = arith.muli %add3A_183, %mul3A_184 : i32
        %dma_start3A_186 = tpu.memref_slice %arg6[%mul3A_185] : memref<25088xi32, #tpu.memory_space<vmem>> -> memref<128xi32, #tpu.memory_space<vmem>>
        %dma_start3A_187 = arith.constant 0 : i32
        %dma_start3A_188 = arith.constant 0 : i32
        %dma_start3A_189 = tpu.memref_slice %arg2[%dma_start3A_187, %dma_start3A_188] : memref<50000x64xf32, #tpu.memory_space<hbm>> -> memref<50000x64xf32, #tpu.memory_space<hbm>>
        tpu.enqueue_indirect_dma source(%dma_start3A_189 : memref<50000x64xf32, #tpu.memory_space<hbm>>) target(%arg12 : memref<128x64xf32, #tpu.memory_space<vmem>>) offsets(%dma_start3A_186 : memref<128xi32, #tpu.memory_space<vmem>>) semaphore(%arg16 : memref<!tpu.dma_semaphore, #tpu.memory_space<semaphore_mem>>)
        %dma_start3A_190 = tpu.memref_slice %arg7[%mul3A_185] : memref<25088xi32, #tpu.memory_space<vmem>> -> memref<128xi32, #tpu.memory_space<vmem>>
        %dma_start3A_191 = arith.constant 0 : i32
        %dma_start3A_192 = arith.constant 0 : i32
        %dma_start3A_193 = tpu.memref_slice %arg3[%dma_start3A_191, %dma_start3A_192] : memref<50000x64xf32, #tpu.memory_space<hbm>> -> memref<50000x64xf32, #tpu.memory_space<hbm>>
        tpu.enqueue_indirect_dma source(%dma_start3A_193 : memref<50000x64xf32, #tpu.memory_space<hbm>>) target(%arg13 : memref<128x64xf32, #tpu.memory_space<vmem>>) offsets(%dma_start3A_190 : memref<128xi32, #tpu.memory_space<vmem>>) semaphore(%arg16 : memref<!tpu.dma_semaphore, #tpu.memory_space<semaphore_mem>>)
      } else {
      }
    }
    %while3A_61 = arith.constant 1 : i32
    scf.for %while3A_62 = %while3A_59 to %while3A_55 step %while3A_61  : i32 {
      %mul3A_63 = arith.constant 3 : i32
      %mul3A_64 = arith.muli %mul3A_63, %while3A_62 : i32
      %add3A_65 = arith.constant 0 : i32
      %add3A_66 = arith.addi %mul3A_64, %add3A_65 : i32
      %dma_wait3A = arith.constant 0 : i32
      %dma_wait3A_67 = arith.constant 0 : i32
      %dma_wait3A_68 = tpu.memref_slice %arg2[%dma_wait3A, %dma_wait3A_67] : memref<50000x64xf32, #tpu.memory_space<hbm>> -> memref<128x64xf32, #tpu.memory_space<hbm>>
      %dma_wait3A_69 = arith.constant 0 : i32
      %dma_wait3A_70 = arith.constant 0 : i32
      %dma_wait3A_71 = tpu.memref_slice %arg2[%dma_wait3A_69, %dma_wait3A_70] : memref<50000x64xf32, #tpu.memory_space<hbm>> -> memref<128x64xf32, #tpu.memory_space<hbm>>
      tpu.wait_dma2 semaphore(%arg14 : memref<!tpu.dma_semaphore, #tpu.memory_space<semaphore_mem>>) src(%dma_wait3A_71 : memref<128x64xf32, #tpu.memory_space<hbm>>) dst(%arg8 : memref<128x64xf32, #tpu.memory_space<vmem>>)
      %dma_wait3A_72 = arith.constant 0 : i32
      %dma_wait3A_73 = arith.constant 0 : i32
      %dma_wait3A_74 = tpu.memref_slice %arg2[%dma_wait3A_72, %dma_wait3A_73] : memref<50000x64xf32, #tpu.memory_space<hbm>> -> memref<128x64xf32, #tpu.memory_space<hbm>>
      %dma_wait3A_75 = arith.constant 0 : i32
      %dma_wait3A_76 = arith.constant 0 : i32
      %dma_wait3A_77 = tpu.memref_slice %arg2[%dma_wait3A_75, %dma_wait3A_76] : memref<50000x64xf32, #tpu.memory_space<hbm>> -> memref<128x64xf32, #tpu.memory_space<hbm>>
      tpu.wait_dma2 semaphore(%arg14 : memref<!tpu.dma_semaphore, #tpu.memory_space<semaphore_mem>>) src(%dma_wait3A_77 : memref<128x64xf32, #tpu.memory_space<hbm>>) dst(%arg9 : memref<128x64xf32, #tpu.memory_space<vmem>>)
      %scan3A = arith.constant 0 : i32
      %scan3A_78 = arith.constant 0 : i32
      %scan3A_79 = arith.constant 128 : i32
      %scan3A_80 = arith.addi %scan3A_78, %scan3A_79 : i32
      %scan3A_81 = arith.constant 2 : i32
      scf.for %scan3A_182 = %scan3A_78 to %scan3A_80 step %scan3A_81  : i32 {
        %get3A = arith.index_cast %scan3A_182 : i32 to index
        %get3A_183 = arith.constant 0 : index
        %get3A_184 = tpu.vector_load %arg9[%get3A, %get3A_183] {strides = array<i32>} : memref<128x64xf32, #tpu.memory_space<vmem>>, vector<1x16xf32>,
        %get3A_185 = vector.shape_cast %get3A_184 : vector<1x16xf32> to vector<16xf32>
        %swap3A = arith.index_cast %scan3A_182 : i32 to index
        %swap3A_186 = arith.constant 0 : index
        %swap3A_187 = tpu.vector_load %arg8[%swap3A, %swap3A_186] {strides = array<i32>} : memref<128x64xf32, #tpu.memory_space<vmem>>, vector<1x16xf32>,
        %swap3A_188 = vector.shape_cast %swap3A_187 : vector<1x16xf32> to vector<16xf32>
        %swap3A_189 = vector.shape_cast %get3A_185 : vector<16xf32> to vector<1x16xf32>
        tpu.vector_store %arg8[%swap3A, %swap3A_186], %swap3A_189 {add = true, strides = array<i32>} : memref<128x64xf32, #tpu.memory_space<vmem>>, vector<1x16xf32>,
        %get3A_190 = arith.index_cast %scan3A_182 : i32 to index
        %get3A_191 = arith.constant 16 : index
        %get3A_192 = tpu.vector_load %arg9[%get3A_190, %get3A_191] {strides = array<i32>} : memref<128x64xf32, #tpu.memory_space<vmem>>, vector<1x16xf32>,
        %get3A_193 = vector.shape_cast %get3A_192 : vector<1x16xf32> to vector<16xf32>
        %swap3A_194 = arith.index_cast %scan3A_182 : i32 to index
        %swap3A_195 = arith.constant 16 : index
        %swap3A_196 = tpu.vector_load %arg8[%swap3A_194, %swap3A_195] {strides = array<i32>} : memref<128x64xf32, #tpu.memory_space<vmem>>, vector<1x16xf32>,
        %swap3A_197 = vector.shape_cast %swap3A_196 : vector<1x16xf32> to vector<16xf32>
        %swap3A_198 = vector.shape_cast %get3A_193 : vector<16xf32> to vector<1x16xf32>
        tpu.vector_store %arg8[%swap3A_194, %swap3A_195], %swap3A_198 {add = true, strides = array<i32>} : memref<128x64xf32, #tpu.memory_space<vmem>>, vector<1x16xf32>,
        %get3A_199 = arith.index_cast %scan3A_182 : i32 to index
        %get3A_200 = arith.constant 32 : index
        %get3A_201 = tpu.vector_load %arg9[%get3A_199, %get3A_200] {strides = array<i32>} : memref<128x64xf32, #tpu.memory_space<vmem>>, vector<1x16xf32>,
        %get3A_202 = vector.shape_cast %get3A_201 : vector<1x16xf32> to vector<16xf32>
        %swap3A_203 = arith.index_cast %scan3A_182 : i32 to index
        %swap3A_204 = arith.constant 32 : index
        %swap3A_205 = tpu.vector_load %arg8[%swap3A_203, %swap3A_204] {strides = array<i32>} : memref<128x64xf32, #tpu.memory_space<vmem>>, vector<1x16xf32>,
        %swap3A_206 = vector.shape_cast %swap3A_205 : vector<1x16xf32> to vector<16xf32>
        %swap3A_207 = vector.shape_cast %get3A_202 : vector<16xf32> to vector<1x16xf32>
        tpu.vector_store %arg8[%swap3A_203, %swap3A_204], %swap3A_207 {add = true, strides = array<i32>} : memref<128x64xf32, #tpu.memory_space<vmem>>, vector<1x16xf32>,
        %get3A_208 = arith.index_cast %scan3A_182 : i32 to index
        %get3A_209 = arith.constant 48 : index
        %get3A_210 = tpu.vector_load %arg9[%get3A_208, %get3A_209] {strides = array<i32>} : memref<128x64xf32, #tpu.memory_space<vmem>>, vector<1x16xf32>,
        %get3A_211 = vector.shape_cast %get3A_210 : vector<1x16xf32> to vector<16xf32>
        %swap3A_212 = arith.index_cast %scan3A_182 : i32 to index
        %swap3A_213 = arith.constant 48 : index
        %swap3A_214 = tpu.vector_load %arg8[%swap3A_212, %swap3A_213] {strides = array<i32>} : memref<128x64xf32, #tpu.memory_space<vmem>>, vector<1x16xf32>,
        %swap3A_215 = vector.shape_cast %swap3A_214 : vector<1x16xf32> to vector<16xf32>
        %swap3A_216 = vector.shape_cast %get3A_211 : vector<16xf32> to vector<1x16xf32>
        tpu.vector_store %arg8[%swap3A_212, %swap3A_213], %swap3A_216 {add = true, strides = array<i32>} : memref<128x64xf32, #tpu.memory_space<vmem>>, vector<1x16xf32>,
        %scan3A_217 = arith.constant 1 : i32
        %scan3A_218 = arith.addi %scan3A_182, %scan3A_217 : i32
        %get3A_219 = arith.index_cast %scan3A_218 : i32 to index
        %get3A_220 = arith.constant 0 : index
        %get3A_221 = tpu.vector_load %arg9[%get3A_219, %get3A_220] {strides = array<i32>} : memref<128x64xf32, #tpu.memory_space<vmem>>, vector<1x16xf32>,
        %get3A_222 = vector.shape_cast %get3A_221 : vector<1x16xf32> to vector<16xf32>
        %swap3A_223 = arith.index_cast %scan3A_218 : i32 to index
        %swap3A_224 = arith.constant 0 : index
        %swap3A_225 = tpu.vector_load %arg8[%swap3A_223, %swap3A_224] {strides = array<i32>} : memref<128x64xf32, #tpu.memory_space<vmem>>, vector<1x16xf32>,
        %swap3A_226 = vector.shape_cast %swap3A_225 : vector<1x16xf32> to vector<16xf32>
        %swap3A_227 = vector.shape_cast %get3A_222 : vector<16xf32> to vector<1x16xf32>
        tpu.vector_store %arg8[%swap3A_223, %swap3A_224], %swap3A_227 {add = true, strides = array<i32>} : memref<128x64xf32, #tpu.memory_space<vmem>>, vector<1x16xf32>,
        %get3A_228 = arith.index_cast %scan3A_218 : i32 to index
        %get3A_229 = arith.constant 16 : index
        %get3A_230 = tpu.vector_load %arg9[%get3A_228, %get3A_229] {strides = array<i32>} : memref<128x64xf32, #tpu.memory_space<vmem>>, vector<1x16xf32>,
        %get3A_231 = vector.shape_cast %get3A_230 : vector<1x16xf32> to vector<16xf32>
        %swap3A_232 = arith.index_cast %scan3A_218 : i32 to index
        %swap3A_233 = arith.constant 16 : index
        %swap3A_234 = tpu.vector_load %arg8[%swap3A_232, %swap3A_233] {strides = array<i32>} : memref<128x64xf32, #tpu.memory_space<vmem>>, vector<1x16xf32>,
        %swap3A_235 = vector.shape_cast %swap3A_234 : vector<1x16xf32> to vector<16xf32>
        %swap3A_236 = vector.shape_cast %get3A_231 : vector<16xf32> to vector<1x16xf32>
        tpu.vector_store %arg8[%swap3A_232, %swap3A_233], %swap3A_236 {add = true, strides = array<i32>} : memref<128x64xf32, #tpu.memory_space<vmem>>, vector<1x16xf32>,
        %get3A_237 = arith.index_cast %scan3A_218 : i32 to index
        %get3A_238 = arith.constant 32 : index
        %get3A_239 = tpu.vector_load %arg9[%get3A_237, %get3A_238] {strides = array<i32>} : memref<128x64xf32, #tpu.memory_space<vmem>>, vector<1x16xf32>,
        %get3A_240 = vector.shape_cast %get3A_239 : vector<1x16xf32> to vector<16xf32>
        %swap3A_241 = arith.index_cast %scan3A_218 : i32 to index
        %swap3A_242 = arith.constant 32 : index
        %swap3A_243 = tpu.vector_load %arg8[%swap3A_241, %swap3A_242] {strides = array<i32>} : memref<128x64xf32, #tpu.memory_space<vmem>>, vector<1x16xf32>,
        %swap3A_244 = vector.shape_cast %swap3A_243 : vector<1x16xf32> to vector<16xf32>
        %swap3A_245 = vector.shape_cast %get3A_240 : vector<16xf32> to vector<1x16xf32>
        tpu.vector_store %arg8[%swap3A_241, %swap3A_242], %swap3A_245 {add = true, strides = array<i32>} : memref<128x64xf32, #tpu.memory_space<vmem>>, vector<1x16xf32>,
        %get3A_246 = arith.index_cast %scan3A_218 : i32 to index
        %get3A_247 = arith.constant 48 : index
        %get3A_248 = tpu.vector_load %arg9[%get3A_246, %get3A_247] {strides = array<i32>} : memref<128x64xf32, #tpu.memory_space<vmem>>, vector<1x16xf32>,
        %get3A_249 = vector.shape_cast %get3A_248 : vector<1x16xf32> to vector<16xf32>
        %swap3A_250 = arith.index_cast %scan3A_218 : i32 to index
        %swap3A_251 = arith.constant 48 : index
        %swap3A_252 = tpu.vector_load %arg8[%swap3A_250, %swap3A_251] {strides = array<i32>} : memref<128x64xf32, #tpu.memory_space<vmem>>, vector<1x16xf32>,
        %swap3A_253 = vector.shape_cast %swap3A_252 : vector<1x16xf32> to vector<16xf32>
        %swap3A_254 = vector.shape_cast %get3A_249 : vector<16xf32> to vector<1x16xf32>
        tpu.vector_store %arg8[%swap3A_250, %swap3A_251], %swap3A_254 {add = true, strides = array<i32>} : memref<128x64xf32, #tpu.memory_space<vmem>>, vector<1x16xf32>,
      }
      %scan3A_82 = arith.constant 128 : i32
      %mul3A_83 = arith.constant 128 : i32
      %mul3A_84 = arith.muli %add3A_66, %mul3A_83 : i32
      %add3A_85 = arith.addi %mul3A_10, %mul3A_84 : i32
      %jit3A_86 = arith.constant 6400 : i32
      %div3A_87 = arith.divsi %add3A_85, %jit3A_86 : i32
      %sign3A_88 = arith.constant 0 : i32
      %sign3A_89 = arith.cmpi sgt, %add3A_85, %sign3A_88 : i32
      %sign3A_90 = arith.extui %sign3A_89 : i1 to i32
      %sign3A_91 = arith.constant 0 : i32
      %sign3A_92 = arith.cmpi slt, %add3A_85, %sign3A_91 : i32
      %sign3A_93 = arith.extui %sign3A_92 : i1 to i32
      %sign3A_94 = arith.subi %sign3A_90, %sign3A_93 : i32
      %sign3A_95 = arith.constant 0 : i32
      %sign3A_96 = arith.cmpi sgt, %jit3A_86, %sign3A_95 : i32
      %sign3A_97 = arith.extui %sign3A_96 : i1 to i32
      %sign3A_98 = arith.constant 0 : i32
      %sign3A_99 = arith.cmpi slt, %jit3A_86, %sign3A_98 : i32
      %sign3A_100 = arith.extui %sign3A_99 : i1 to i32
      %sign3A_101 = arith.subi %sign3A_97, %sign3A_100 : i32
      %ne3A_102 = arith.cmpi ne, %sign3A_94, %sign3A_101 : i32
      %rem3A_103 = arith.remsi %add3A_85, %jit3A_86 : i32
      %ne3A_104 = arith.constant 0 : i32
      %ne3A_105 = arith.cmpi ne, %rem3A_103, %ne3A_104 : i32
      %and3A_106 = arith.andi %ne3A_102, %ne3A_105 : i1
      %sub3A_107 = arith.constant 1 : i32
      %sub3A_108 = arith.subi %div3A_87, %sub3A_107 : i32
      %select_n3A_109 = arith.select %and3A_106, %sub3A_108, %div3A_87 : i32
      %mul3A_110 = arith.constant 6400 : i32
      %mul3A_111 = arith.muli %select_n3A_109, %mul3A_110 : i32
      %sub3A_112 = arith.subi %add3A_85, %mul3A_111 : i32
      %jit3A_113 = arith.constant 3200 : i32
      %div3A_114 = arith.divsi %sub3A_112, %jit3A_113 : i32
      %sign3A_115 = arith.constant 0 : i32
      %sign3A_116 = arith.cmpi sgt, %sub3A_112, %sign3A_115 : i32
      %sign3A_117 = arith.extui %sign3A_116 : i1 to i32
      %sign3A_118 = arith.constant 0 : i32
      %sign3A_119 = arith.cmpi slt, %sub3A_112, %sign3A_118 : i32
      %sign3A_120 = arith.extui %sign3A_119 : i1 to i32
      %sign3A_121 = arith.subi %sign3A_117, %sign3A_120 : i32
      %sign3A_122 = arith.constant 0 : i32
      %sign3A_123 = arith.cmpi sgt, %jit3A_113, %sign3A_122 : i32
      %sign3A_124 = arith.extui %sign3A_123 : i1 to i32
      %sign3A_125 = arith.constant 0 : i32
      %sign3A_126 = arith.cmpi slt, %jit3A_113, %sign3A_125 : i32
      %sign3A_127 = arith.extui %sign3A_126 : i1 to i32
      %sign3A_128 = arith.subi %sign3A_124, %sign3A_127 : i32
      %ne3A_129 = arith.cmpi ne, %sign3A_121, %sign3A_128 : i32
      %rem3A_130 = arith.remsi %sub3A_112, %jit3A_113 : i32
      %ne3A_131 = arith.constant 0 : i32
      %ne3A_132 = arith.cmpi ne, %rem3A_130, %ne3A_131 : i32
      %and3A_133 = arith.andi %ne3A_129, %ne3A_132 : i1
      %sub3A_134 = arith.constant 1 : i32
      %sub3A_135 = arith.subi %div3A_114, %sub3A_134 : i32
      %select_n3A_136 = arith.select %and3A_133, %sub3A_135, %div3A_114 : i32
      %mul3A_137 = arith.constant 3200 : i32
      %mul3A_138 = arith.muli %select_n3A_109, %mul3A_137 : i32
      %mul3A_139 = arith.constant 3200 : i32
      %mul3A_140 = arith.muli %select_n3A_136, %mul3A_139 : i32
      %sub3A_141 = arith.subi %sub3A_112, %mul3A_140 : i32
      %add3A_142 = arith.addi %mul3A_138, %sub3A_141 : i32
      %eq3A = arith.constant 0 : i32
      %eq3A_143 = arith.cmpi eq, %select_n3A_136, %eq3A : i32
      %convert_element_type3A_144 = arith.extui %eq3A_143 : i1 to i32
      %cond3A_145 = arith.constant 0 : i32
      %cond3A_146 = arith.cmpi ne, %convert_element_type3A_144, %cond3A_145 : i32
      scf.if %cond3A_146 {
        "tpu.region"() ({
          %run_scoped3A_182 = tpu.sem_alloc : memref<!tpu.dma_semaphore, #tpu.memory_space<semaphore_mem>>
          %dma_start3A_183 = arith.constant 0 : i32
          %dma_start3A_184 = tpu.memref_slice %arg5[%add3A_142, %dma_start3A_183] : memref<400000x128xf32, #tpu.memory_space<hbm>> -> memref<128x64xf32, #tpu.memory_space<hbm>>
          %dma_start3A_185 = arith.constant 0 : i32
          %dma_start3A_186 = tpu.memref_slice %arg5[%add3A_142, %dma_start3A_185] : memref<400000x128xf32, #tpu.memory_space<hbm>> -> memref<128x64xf32, #tpu.memory_space<hbm>>
          tpu.enqueue_dma source(%arg8 : memref<128x64xf32, #tpu.memory_space<vmem>>) target(%dma_start3A_186 : memref<128x64xf32, #tpu.memory_space<hbm>>) target_semaphore(%run_scoped3A_182 : memref<!tpu.dma_semaphore, #tpu.memory_space<semaphore_mem>>)
          %dma_wait3A_187 = arith.constant 0 : i32
          %dma_wait3A_188 = tpu.memref_slice %arg5[%add3A_142, %dma_wait3A_187] : memref<400000x128xf32, #tpu.memory_space<hbm>> -> memref<128x64xf32, #tpu.memory_space<hbm>>
          %dma_wait3A_189 = arith.constant 0 : i32
          %dma_wait3A_190 = tpu.memref_slice %arg5[%add3A_142, %dma_wait3A_189] : memref<400000x128xf32, #tpu.memory_space<hbm>> -> memref<128x64xf32, #tpu.memory_space<hbm>>
          tpu.wait_dma2 semaphore(%run_scoped3A_182 : memref<!tpu.dma_semaphore, #tpu.memory_space<semaphore_mem>>) src(%arg8 : memref<128x64xf32, #tpu.memory_space<vmem>>) dst(%dma_wait3A_190 : memref<128x64xf32, #tpu.memory_space<hbm>>)
          tpu.yield
        }) : () -> ()
      } else {
      }
      %eq3A_147 = arith.constant 1 : i32
      %eq3A_148 = arith.cmpi eq, %select_n3A_136, %eq3A_147 : i32
      %convert_element_type3A_149 = arith.extui %eq3A_148 : i1 to i32
      %cond3A_150 = arith.constant 0 : i32
      %cond3A_151 = arith.cmpi ne, %convert_element_type3A_149, %cond3A_150 : i32
      scf.if %cond3A_151 {
        "tpu.region"() ({
          %run_scoped3A_182 = tpu.sem_alloc : memref<!tpu.dma_semaphore, #tpu.memory_space<semaphore_mem>>
          %dma_start3A_183 = arith.constant 64 : i32
          %dma_start3A_184 = tpu.memref_slice %arg5[%add3A_142, %dma_start3A_183] : memref<400000x128xf32, #tpu.memory_space<hbm>> -> memref<128x64xf32, #tpu.memory_space<hbm>>
          %dma_start3A_185 = arith.constant 64 : i32
          %dma_start3A_186 = tpu.memref_slice %arg5[%add3A_142, %dma_start3A_185] : memref<400000x128xf32, #tpu.memory_space<hbm>> -> memref<128x64xf32, #tpu.memory_space<hbm>>
          tpu.enqueue_dma source(%arg8 : memref<128x64xf32, #tpu.memory_space<vmem>>) target(%dma_start3A_186 : memref<128x64xf32, #tpu.memory_space<hbm>>) target_semaphore(%run_scoped3A_182 : memref<!tpu.dma_semaphore, #tpu.memory_space<semaphore_mem>>)
          %dma_wait3A_187 = arith.constant 64 : i32
          %dma_wait3A_188 = tpu.memref_slice %arg5[%add3A_142, %dma_wait3A_187] : memref<400000x128xf32, #tpu.memory_space<hbm>> -> memref<128x64xf32, #tpu.memory_space<hbm>>
          %dma_wait3A_189 = arith.constant 64 : i32
          %dma_wait3A_190 = tpu.memref_slice %arg5[%add3A_142, %dma_wait3A_189] : memref<400000x128xf32, #tpu.memory_space<hbm>> -> memref<128x64xf32, #tpu.memory_space<hbm>>
          tpu.wait_dma2 semaphore(%run_scoped3A_182 : memref<!tpu.dma_semaphore, #tpu.memory_space<semaphore_mem>>) src(%arg8 : memref<128x64xf32, #tpu.memory_space<vmem>>) dst(%dma_wait3A_190 : memref<128x64xf32, #tpu.memory_space<hbm>>)
          tpu.yield
        }) : () -> ()
      } else {
      }
      %add3A_152 = arith.constant 3 : i32
      %add3A_153 = arith.addi %add3A_66, %add3A_152 : i32
      %lt3A_154 = arith.cmpi slt, %add3A_153, %add3A_4 : i32
      %convert_element_type3A_155 = arith.extui %lt3A_154 : i1 to i32
      %cond3A_156 = arith.constant 0 : i32
      %cond3A_157 = arith.cmpi ne, %convert_element_type3A_155, %cond3A_156 : i32
      scf.if %cond3A_157 {
        %add3A_182 = arith.constant 3 : i32
        %add3A_183 = arith.addi %add3A_66, %add3A_182 : i32
        %mul3A_184 = arith.constant 128 : i32
        %mul3A_185 = arith.muli %add3A_183, %mul3A_184 : i32
        %dma_start3A_186 = tpu.memref_slice %arg6[%mul3A_185] : memref<25088xi32, #tpu.memory_space<vmem>> -> memref<128xi32, #tpu.memory_space<vmem>>
        %dma_start3A_187 = arith.constant 0 : i32
        %dma_start3A_188 = arith.constant 0 : i32
        %dma_start3A_189 = tpu.memref_slice %arg2[%dma_start3A_187, %dma_start3A_188] : memref<50000x64xf32, #tpu.memory_space<hbm>> -> memref<50000x64xf32, #tpu.memory_space<hbm>>
        tpu.enqueue_indirect_dma source(%dma_start3A_189 : memref<50000x64xf32, #tpu.memory_space<hbm>>) target(%arg8 : memref<128x64xf32, #tpu.memory_space<vmem>>) offsets(%dma_start3A_186 : memref<128xi32, #tpu.memory_space<vmem>>) semaphore(%arg14 : memref<!tpu.dma_semaphore, #tpu.memory_space<semaphore_mem>>)
        %dma_start3A_190 = tpu.memref_slice %arg7[%mul3A_185] : memref<25088xi32, #tpu.memory_space<vmem>> -> memref<128xi32, #tpu.memory_space<vmem>>
        %dma_start3A_191 = arith.constant 0 : i32
        %dma_start3A_192 = arith.constant 0 : i32
        %dma_start3A_193 = tpu.memref_slice %arg3[%dma_start3A_191, %dma_start3A_192] : memref<50000x64xf32, #tpu.memory_space<hbm>> -> memref<50000x64xf32, #tpu.memory_space<hbm>>
        tpu.enqueue_indirect_dma source(%dma_start3A_193 : memref<50000x64xf32, #tpu.memory_space<hbm>>) target(%arg9 : memref<128x64xf32, #tpu.memory_space<vmem>>) offsets(%dma_start3A_190 : memref<128xi32, #tpu.memory_space<vmem>>) semaphore(%arg14 : memref<!tpu.dma_semaphore, #tpu.memory_space<semaphore_mem>>)
      } else {
      }
      %add3A_158 = arith.constant 1 : i32
      %add3A_159 = arith.addi %mul3A_64, %add3A_158 : i32
      %lt3A_160 = arith.cmpi slt, %add3A_159, %add3A_4 : i32
      %convert_element_type3A_161 = arith.extui %lt3A_160 : i1 to i32
      %cond3A_162 = arith.constant 0 : i32
      %cond3A_163 = arith.cmpi ne, %convert_element_type3A_161, %cond3A_162 : i32
      scf.if %cond3A_163 {
        %dma_wait3A_182 = arith.constant 0 : i32
        %dma_wait3A_183 = arith.constant 0 : i32
        %dma_wait3A_184 = tpu.memref_slice %arg2[%dma_wait3A_182, %dma_wait3A_183] : memref<50000x64xf32, #tpu.memory_space<hbm>> -> memref<128x64xf32, #tpu.memory_space<hbm>>
        %dma_wait3A_185 = arith.constant 0 : i32
        %dma_wait3A_186 = arith.constant 0 : i32
        %dma_wait3A_187 = tpu.memref_slice %arg2[%dma_wait3A_185, %dma_wait3A_186] : memref<50000x64xf32, #tpu.memory_space<hbm>> -> memref<128x64xf32, #tpu.memory_space<hbm>>
        tpu.wait_dma2 semaphore(%arg15 : memref<!tpu.dma_semaphore, #tpu.memory_space<semaphore_mem>>) src(%dma_wait3A_187 : memref<128x64xf32, #tpu.memory_space<hbm>>) dst(%arg10 : memref<128x64xf32, #tpu.memory_space<vmem>>)
        %dma_wait3A_188 = arith.constant 0 : i32
        %dma_wait3A_189 = arith.constant 0 : i32
        %dma_wait3A_190 = tpu.memref_slice %arg2[%dma_wait3A_188, %dma_wait3A_189] : memref<50000x64xf32, #tpu.memory_space<hbm>> -> memref<128x64xf32, #tpu.memory_space<hbm>>
        %dma_wait3A_191 = arith.constant 0 : i32
        %dma_wait3A_192 = arith.constant 0 : i32
        %dma_wait3A_193 = tpu.memref_slice %arg2[%dma_wait3A_191, %dma_wait3A_192] : memref<50000x64xf32, #tpu.memory_space<hbm>> -> memref<128x64xf32, #tpu.memory_space<hbm>>
        tpu.wait_dma2 semaphore(%arg15 : memref<!tpu.dma_semaphore, #tpu.memory_space<semaphore_mem>>) src(%dma_wait3A_193 : memref<128x64xf32, #tpu.memory_space<hbm>>) dst(%arg11 : memref<128x64xf32, #tpu.memory_space<vmem>>)
        %scan3A_194 = arith.constant 0 : i32
        %scan3A_195 = arith.constant 0 : i32
        %scan3A_196 = arith.constant 128 : i32
        %scan3A_197 = arith.addi %scan3A_195, %scan3A_196 : i32
        %scan3A_198 = arith.constant 2 : i32
        scf.for %scan3A_270 = %scan3A_195 to %scan3A_197 step %scan3A_198  : i32 {
          %get3A = arith.index_cast %scan3A_270 : i32 to index
          %get3A_271 = arith.constant 0 : index
          %get3A_272 = tpu.vector_load %arg11[%get3A, %get3A_271] {strides = array<i32>} : memref<128x64xf32, #tpu.memory_space<vmem>>, vector<1x16xf32>,
          %get3A_273 = vector.shape_cast %get3A_272 : vector<1x16xf32> to vector<16xf32>
          %swap3A = arith.index_cast %scan3A_270 : i32 to index
          %swap3A_274 = arith.constant 0 : index
          %swap3A_275 = tpu.vector_load %arg10[%swap3A, %swap3A_274] {strides = array<i32>} : memref<128x64xf32, #tpu.memory_space<vmem>>, vector<1x16xf32>,
          %swap3A_276 = vector.shape_cast %swap3A_275 : vector<1x16xf32> to vector<16xf32>
          %swap3A_277 = vector.shape_cast %get3A_273 : vector<16xf32> to vector<1x16xf32>
          tpu.vector_store %arg10[%swap3A, %swap3A_274], %swap3A_277 {add = true, strides = array<i32>} : memref<128x64xf32, #tpu.memory_space<vmem>>, vector<1x16xf32>,
          %get3A_278 = arith.index_cast %scan3A_270 : i32 to index
          %get3A_279 = arith.constant 16 : index
          %get3A_280 = tpu.vector_load %arg11[%get3A_278, %get3A_279] {strides = array<i32>} : memref<128x64xf32, #tpu.memory_space<vmem>>, vector<1x16xf32>,
          %get3A_281 = vector.shape_cast %get3A_280 : vector<1x16xf32> to vector<16xf32>
          %swap3A_282 = arith.index_cast %scan3A_270 : i32 to index
          %swap3A_283 = arith.constant 16 : index
          %swap3A_284 = tpu.vector_load %arg10[%swap3A_282, %swap3A_283] {strides = array<i32>} : memref<128x64xf32, #tpu.memory_space<vmem>>, vector<1x16xf32>,
          %swap3A_285 = vector.shape_cast %swap3A_284 : vector<1x16xf32> to vector<16xf32>
          %swap3A_286 = vector.shape_cast %get3A_281 : vector<16xf32> to vector<1x16xf32>
          tpu.vector_store %arg10[%swap3A_282, %swap3A_283], %swap3A_286 {add = true, strides = array<i32>} : memref<128x64xf32, #tpu.memory_space<vmem>>, vector<1x16xf32>,
          %get3A_287 = arith.index_cast %scan3A_270 : i32 to index
          %get3A_288 = arith.constant 32 : index
          %get3A_289 = tpu.vector_load %arg11[%get3A_287, %get3A_288] {strides = array<i32>} : memref<128x64xf32, #tpu.memory_space<vmem>>, vector<1x16xf32>,
          %get3A_290 = vector.shape_cast %get3A_289 : vector<1x16xf32> to vector<16xf32>
          %swap3A_291 = arith.index_cast %scan3A_270 : i32 to index
          %swap3A_292 = arith.constant 32 : index
          %swap3A_293 = tpu.vector_load %arg10[%swap3A_291, %swap3A_292] {strides = array<i32>} : memref<128x64xf32, #tpu.memory_space<vmem>>, vector<1x16xf32>,
          %swap3A_294 = vector.shape_cast %swap3A_293 : vector<1x16xf32> to vector<16xf32>
          %swap3A_295 = vector.shape_cast %get3A_290 : vector<16xf32> to vector<1x16xf32>
          tpu.vector_store %arg10[%swap3A_291, %swap3A_292], %swap3A_295 {add = true, strides = array<i32>} : memref<128x64xf32, #tpu.memory_space<vmem>>, vector<1x16xf32>,
          %get3A_296 = arith.index_cast %scan3A_270 : i32 to index
          %get3A_297 = arith.constant 48 : index
          %get3A_298 = tpu.vector_load %arg11[%get3A_296, %get3A_297] {strides = array<i32>} : memref<128x64xf32, #tpu.memory_space<vmem>>, vector<1x16xf32>,
          %get3A_299 = vector.shape_cast %get3A_298 : vector<1x16xf32> to vector<16xf32>
          %swap3A_300 = arith.index_cast %scan3A_270 : i32 to index
          %swap3A_301 = arith.constant 48 : index
          %swap3A_302 = tpu.vector_load %arg10[%swap3A_300, %swap3A_301] {strides = array<i32>} : memref<128x64xf32, #tpu.memory_space<vmem>>, vector<1x16xf32>,
          %swap3A_303 = vector.shape_cast %swap3A_302 : vector<1x16xf32> to vector<16xf32>
          %swap3A_304 = vector.shape_cast %get3A_299 : vector<16xf32> to vector<1x16xf32>
          tpu.vector_store %arg10[%swap3A_300, %swap3A_301], %swap3A_304 {add = true, strides = array<i32>} : memref<128x64xf32, #tpu.memory_space<vmem>>, vector<1x16xf32>,
          %scan3A_305 = arith.constant 1 : i32
          %scan3A_306 = arith.addi %scan3A_270, %scan3A_305 : i32
          %get3A_307 = arith.index_cast %scan3A_306 : i32 to index
          %get3A_308 = arith.constant 0 : index
          %get3A_309 = tpu.vector_load %arg11[%get3A_307, %get3A_308] {strides = array<i32>} : memref<128x64xf32, #tpu.memory_space<vmem>>, vector<1x16xf32>,
          %get3A_310 = vector.shape_cast %get3A_309 : vector<1x16xf32> to vector<16xf32>
          %swap3A_311 = arith.index_cast %scan3A_306 : i32 to index
          %swap3A_312 = arith.constant 0 : index
          %swap3A_313 = tpu.vector_load %arg10[%swap3A_311, %swap3A_312] {strides = array<i32>} : memref<128x64xf32, #tpu.memory_space<vmem>>, vector<1x16xf32>,
          %swap3A_314 = vector.shape_cast %swap3A_313 : vector<1x16xf32> to vector<16xf32>
          %swap3A_315 = vector.shape_cast %get3A_310 : vector<16xf32> to vector<1x16xf32>
          tpu.vector_store %arg10[%swap3A_311, %swap3A_312], %swap3A_315 {add = true, strides = array<i32>} : memref<128x64xf32, #tpu.memory_space<vmem>>, vector<1x16xf32>,
          %get3A_316 = arith.index_cast %scan3A_306 : i32 to index
          %get3A_317 = arith.constant 16 : index
          %get3A_318 = tpu.vector_load %arg11[%get3A_316, %get3A_317] {strides = array<i32>} : memref<128x64xf32, #tpu.memory_space<vmem>>, vector<1x16xf32>,
          %get3A_319 = vector.shape_cast %get3A_318 : vector<1x16xf32> to vector<16xf32>
          %swap3A_320 = arith.index_cast %scan3A_306 : i32 to index
          %swap3A_321 = arith.constant 16 : index
          %swap3A_322 = tpu.vector_load %arg10[%swap3A_320, %swap3A_321] {strides = array<i32>} : memref<128x64xf32, #tpu.memory_space<vmem>>, vector<1x16xf32>,
          %swap3A_323 = vector.shape_cast %swap3A_322 : vector<1x16xf32> to vector<16xf32>
          %swap3A_324 = vector.shape_cast %get3A_319 : vector<16xf32> to vector<1x16xf32>
          tpu.vector_store %arg10[%swap3A_320, %swap3A_321], %swap3A_324 {add = true, strides = array<i32>} : memref<128x64xf32, #tpu.memory_space<vmem>>, vector<1x16xf32>,
          %get3A_325 = arith.index_cast %scan3A_306 : i32 to index
          %get3A_326 = arith.constant 32 : index
          %get3A_327 = tpu.vector_load %arg11[%get3A_325, %get3A_326] {strides = array<i32>} : memref<128x64xf32, #tpu.memory_space<vmem>>, vector<1x16xf32>,
          %get3A_328 = vector.shape_cast %get3A_327 : vector<1x16xf32> to vector<16xf32>
          %swap3A_329 = arith.index_cast %scan3A_306 : i32 to index
          %swap3A_330 = arith.constant 32 : index
          %swap3A_331 = tpu.vector_load %arg10[%swap3A_329, %swap3A_330] {strides = array<i32>} : memref<128x64xf32, #tpu.memory_space<vmem>>, vector<1x16xf32>,
          %swap3A_332 = vector.shape_cast %swap3A_331 : vector<1x16xf32> to vector<16xf32>
          %swap3A_333 = vector.shape_cast %get3A_328 : vector<16xf32> to vector<1x16xf32>
          tpu.vector_store %arg10[%swap3A_329, %swap3A_330], %swap3A_333 {add = true, strides = array<i32>} : memref<128x64xf32, #tpu.memory_space<vmem>>, vector<1x16xf32>,
          %get3A_334 = arith.index_cast %scan3A_306 : i32 to index
          %get3A_335 = arith.constant 48 : index
          %get3A_336 = tpu.vector_load %arg11[%get3A_334, %get3A_335] {strides = array<i32>} : memref<128x64xf32, #tpu.memory_space<vmem>>, vector<1x16xf32>,
          %get3A_337 = vector.shape_cast %get3A_336 : vector<1x16xf32> to vector<16xf32>
          %swap3A_338 = arith.index_cast %scan3A_306 : i32 to index
          %swap3A_339 = arith.constant 48 : index
          %swap3A_340 = tpu.vector_load %arg10[%swap3A_338, %swap3A_339] {strides = array<i32>} : memref<128x64xf32, #tpu.memory_space<vmem>>, vector<1x16xf32>,
          %swap3A_341 = vector.shape_cast %swap3A_340 : vector<1x16xf32> to vector<16xf32>
          %swap3A_342 = vector.shape_cast %get3A_337 : vector<16xf32> to vector<1x16xf32>
          tpu.vector_store %arg10[%swap3A_338, %swap3A_339], %swap3A_342 {add = true, strides = array<i32>} : memref<128x64xf32, #tpu.memory_space<vmem>>, vector<1x16xf32>,
        }
        %scan3A_199 = arith.constant 128 : i32
        %mul3A_200 = arith.constant 128 : i32
        %mul3A_201 = arith.muli %add3A_159, %mul3A_200 : i32
        %add3A_202 = arith.addi %mul3A_10, %mul3A_201 : i32
        %jit3A_203 = arith.constant 6400 : i32
        %div3A_204 = arith.divsi %add3A_202, %jit3A_203 : i32
        %sign3A_205 = arith.constant 0 : i32
        %sign3A_206 = arith.cmpi sgt, %add3A_202, %sign3A_205 : i32
        %sign3A_207 = arith.extui %sign3A_206 : i1 to i32
        %sign3A_208 = arith.constant 0 : i32
        %sign3A_209 = arith.cmpi slt, %add3A_202, %sign3A_208 : i32
        %sign3A_210 = arith.extui %sign3A_209 : i1 to i32
        %sign3A_211 = arith.subi %sign3A_207, %sign3A_210 : i32
        %sign3A_212 = arith.constant 0 : i32
        %sign3A_213 = arith.cmpi sgt, %jit3A_203, %sign3A_212 : i32
        %sign3A_214 = arith.extui %sign3A_213 : i1 to i32
        %sign3A_215 = arith.constant 0 : i32
        %sign3A_216 = arith.cmpi slt, %jit3A_203, %sign3A_215 : i32
        %sign3A_217 = arith.extui %sign3A_216 : i1 to i32
        %sign3A_218 = arith.subi %sign3A_214, %sign3A_217 : i32
        %ne3A_219 = arith.cmpi ne, %sign3A_211, %sign3A_218 : i32
        %rem3A_220 = arith.remsi %add3A_202, %jit3A_203 : i32
        %ne3A_221 = arith.constant 0 : i32
        %ne3A_222 = arith.cmpi ne, %rem3A_220, %ne3A_221 : i32
        %and3A_223 = arith.andi %ne3A_219, %ne3A_222 : i1
        %sub3A_224 = arith.constant 1 : i32
        %sub3A_225 = arith.subi %div3A_204, %sub3A_224 : i32
        %select_n3A_226 = arith.select %and3A_223, %sub3A_225, %div3A_204 : i32
        %mul3A_227 = arith.constant 6400 : i32
        %mul3A_228 = arith.muli %select_n3A_226, %mul3A_227 : i32
        %sub3A_229 = arith.subi %add3A_202, %mul3A_228 : i32
        %jit3A_230 = arith.constant 3200 : i32
        %div3A_231 = arith.divsi %sub3A_229, %jit3A_230 : i32
        %sign3A_232 = arith.constant 0 : i32
        %sign3A_233 = arith.cmpi sgt, %sub3A_229, %sign3A_232 : i32
        %sign3A_234 = arith.extui %sign3A_233 : i1 to i32
        %sign3A_235 = arith.constant 0 : i32
        %sign3A_236 = arith.cmpi slt, %sub3A_229, %sign3A_235 : i32
        %sign3A_237 = arith.extui %sign3A_236 : i1 to i32
        %sign3A_238 = arith.subi %sign3A_234, %sign3A_237 : i32
        %sign3A_239 = arith.constant 0 : i32
        %sign3A_240 = arith.cmpi sgt, %jit3A_230, %sign3A_239 : i32
        %sign3A_241 = arith.extui %sign3A_240 : i1 to i32
        %sign3A_242 = arith.constant 0 : i32
        %sign3A_243 = arith.cmpi slt, %jit3A_230, %sign3A_242 : i32
        %sign3A_244 = arith.extui %sign3A_243 : i1 to i32
        %sign3A_245 = arith.subi %sign3A_241, %sign3A_244 : i32
        %ne3A_246 = arith.cmpi ne, %sign3A_238, %sign3A_245 : i32
        %rem3A_247 = arith.remsi %sub3A_229, %jit3A_230 : i32
        %ne3A_248 = arith.constant 0 : i32
        %ne3A_249 = arith.cmpi ne, %rem3A_247, %ne3A_248 : i32
        %and3A_250 = arith.andi %ne3A_246, %ne3A_249 : i1
        %sub3A_251 = arith.constant 1 : i32
        %sub3A_252 = arith.subi %div3A_231, %sub3A_251 : i32
        %select_n3A_253 = arith.select %and3A_250, %sub3A_252, %div3A_231 : i32
        %mul3A_254 = arith.constant 3200 : i32
        %mul3A_255 = arith.muli %select_n3A_226, %mul3A_254 : i32
        %mul3A_256 = arith.constant 3200 : i32
        %mul3A_257 = arith.muli %select_n3A_253, %mul3A_256 : i32
        %sub3A_258 = arith.subi %sub3A_229, %mul3A_257 : i32
        %add3A_259 = arith.addi %mul3A_255, %sub3A_258 : i32
        %eq3A_260 = arith.constant 0 : i32
        %eq3A_261 = arith.cmpi eq, %select_n3A_253, %eq3A_260 : i32
        %convert_element_type3A_262 = arith.extui %eq3A_261 : i1 to i32
        %cond3A_263 = arith.constant 0 : i32
        %cond3A_264 = arith.cmpi ne, %convert_element_type3A_262, %cond3A_263 : i32
        scf.if %cond3A_264 {
          "tpu.region"() ({
            %run_scoped3A_270 = tpu.sem_alloc : memref<!tpu.dma_semaphore, #tpu.memory_space<semaphore_mem>>
            %dma_start3A_271 = arith.constant 0 : i32
            %dma_start3A_272 = tpu.memref_slice %arg5[%add3A_259, %dma_start3A_271] : memref<400000x128xf32, #tpu.memory_space<hbm>> -> memref<128x64xf32, #tpu.memory_space<hbm>>
            %dma_start3A_273 = arith.constant 0 : i32
            %dma_start3A_274 = tpu.memref_slice %arg5[%add3A_259, %dma_start3A_273] : memref<400000x128xf32, #tpu.memory_space<hbm>> -> memref<128x64xf32, #tpu.memory_space<hbm>>
            tpu.enqueue_dma source(%arg10 : memref<128x64xf32, #tpu.memory_space<vmem>>) target(%dma_start3A_274 : memref<128x64xf32, #tpu.memory_space<hbm>>) target_semaphore(%run_scoped3A_270 : memref<!tpu.dma_semaphore, #tpu.memory_space<semaphore_mem>>)
            %dma_wait3A_275 = arith.constant 0 : i32
            %dma_wait3A_276 = tpu.memref_slice %arg5[%add3A_259, %dma_wait3A_275] : memref<400000x128xf32, #tpu.memory_space<hbm>> -> memref<128x64xf32, #tpu.memory_space<hbm>>
            %dma_wait3A_277 = arith.constant 0 : i32
            %dma_wait3A_278 = tpu.memref_slice %arg5[%add3A_259, %dma_wait3A_277] : memref<400000x128xf32, #tpu.memory_space<hbm>> -> memref<128x64xf32, #tpu.memory_space<hbm>>
            tpu.wait_dma2 semaphore(%run_scoped3A_270 : memref<!tpu.dma_semaphore, #tpu.memory_space<semaphore_mem>>) src(%arg10 : memref<128x64xf32, #tpu.memory_space<vmem>>) dst(%dma_wait3A_278 : memref<128x64xf32, #tpu.memory_space<hbm>>)
            tpu.yield
          }) : () -> ()
        } else {
        }
        %eq3A_265 = arith.constant 1 : i32
        %eq3A_266 = arith.cmpi eq, %select_n3A_253, %eq3A_265 : i32
        %convert_element_type3A_267 = arith.extui %eq3A_266 : i1 to i32
        %cond3A_268 = arith.constant 0 : i32
        %cond3A_269 = arith.cmpi ne, %convert_element_type3A_267, %cond3A_268 : i32
        scf.if %cond3A_269 {
          "tpu.region"() ({
            %run_scoped3A_270 = tpu.sem_alloc : memref<!tpu.dma_semaphore, #tpu.memory_space<semaphore_mem>>
            %dma_start3A_271 = arith.constant 64 : i32
            %dma_start3A_272 = tpu.memref_slice %arg5[%add3A_259, %dma_start3A_271] : memref<400000x128xf32, #tpu.memory_space<hbm>> -> memref<128x64xf32, #tpu.memory_space<hbm>>
            %dma_start3A_273 = arith.constant 64 : i32
            %dma_start3A_274 = tpu.memref_slice %arg5[%add3A_259, %dma_start3A_273] : memref<400000x128xf32, #tpu.memory_space<hbm>> -> memref<128x64xf32, #tpu.memory_space<hbm>>
            tpu.enqueue_dma source(%arg10 : memref<128x64xf32, #tpu.memory_space<vmem>>) target(%dma_start3A_274 : memref<128x64xf32, #tpu.memory_space<hbm>>) target_semaphore(%run_scoped3A_270 : memref<!tpu.dma_semaphore, #tpu.memory_space<semaphore_mem>>)
            %dma_wait3A_275 = arith.constant 64 : i32
            %dma_wait3A_276 = tpu.memref_slice %arg5[%add3A_259, %dma_wait3A_275] : memref<400000x128xf32, #tpu.memory_space<hbm>> -> memref<128x64xf32, #tpu.memory_space<hbm>>
            %dma_wait3A_277 = arith.constant 64 : i32
            %dma_wait3A_278 = tpu.memref_slice %arg5[%add3A_259, %dma_wait3A_277] : memref<400000x128xf32, #tpu.memory_space<hbm>> -> memref<128x64xf32, #tpu.memory_space<hbm>>
            tpu.wait_dma2 semaphore(%run_scoped3A_270 : memref<!tpu.dma_semaphore, #tpu.memory_space<semaphore_mem>>) src(%arg10 : memref<128x64xf32, #tpu.memory_space<vmem>>) dst(%dma_wait3A_278 : memref<128x64xf32, #tpu.memory_space<hbm>>)
            tpu.yield
          }) : () -> ()
        } else {
        }
      } else {
      }
      %add3A_164 = arith.constant 3 : i32
      %add3A_165 = arith.addi %add3A_159, %add3A_164 : i32
      %lt3A_166 = arith.cmpi slt, %add3A_165, %add3A_4 : i32
      %convert_element_type3A_167 = arith.extui %lt3A_166 : i1 to i32
      %cond3A_168 = arith.constant 0 : i32
      %cond3A_169 = arith.cmpi ne, %convert_element_type3A_167, %cond3A_168 : i32
      scf.if %cond3A_169 {
        %add3A_182 = arith.constant 3 : i32
        %add3A_183 = arith.addi %add3A_159, %add3A_182 : i32
        %mul3A_184 = arith.constant 128 : i32
        %mul3A_185 = arith.muli %add3A_183, %mul3A_184 : i32
        %dma_start3A_186 = tpu.memref_slice %arg6[%mul3A_185] : memref<25088xi32, #tpu.memory_space<vmem>> -> memref<128xi32, #tpu.memory_space<vmem>>
        %dma_start3A_187 = arith.constant 0 : i32
        %dma_start3A_188 = arith.constant 0 : i32
        %dma_start3A_189 = tpu.memref_slice %arg2[%dma_start3A_187, %dma_start3A_188] : memref<50000x64xf32, #tpu.memory_space<hbm>> -> memref<50000x64xf32, #tpu.memory_space<hbm>>
        tpu.enqueue_indirect_dma source(%dma_start3A_189 : memref<50000x64xf32, #tpu.memory_space<hbm>>) target(%arg10 : memref<128x64xf32, #tpu.memory_space<vmem>>) offsets(%dma_start3A_186 : memref<128xi32, #tpu.memory_space<vmem>>) semaphore(%arg15 : memref<!tpu.dma_semaphore, #tpu.memory_space<semaphore_mem>>)
        %dma_start3A_190 = tpu.memref_slice %arg7[%mul3A_185] : memref<25088xi32, #tpu.memory_space<vmem>> -> memref<128xi32, #tpu.memory_space<vmem>>
        %dma_start3A_191 = arith.constant 0 : i32
        %dma_start3A_192 = arith.constant 0 : i32
        %dma_start3A_193 = tpu.memref_slice %arg3[%dma_start3A_191, %dma_start3A_192] : memref<50000x64xf32, #tpu.memory_space<hbm>> -> memref<50000x64xf32, #tpu.memory_space<hbm>>
        tpu.enqueue_indirect_dma source(%dma_start3A_193 : memref<50000x64xf32, #tpu.memory_space<hbm>>) target(%arg11 : memref<128x64xf32, #tpu.memory_space<vmem>>) offsets(%dma_start3A_190 : memref<128xi32, #tpu.memory_space<vmem>>) semaphore(%arg15 : memref<!tpu.dma_semaphore, #tpu.memory_space<semaphore_mem>>)
      } else {
      }
      %add3A_170 = arith.constant 2 : i32
      %add3A_171 = arith.addi %mul3A_64, %add3A_170 : i32
      %lt3A_172 = arith.cmpi slt, %add3A_171, %add3A_4 : i32
      %convert_element_type3A_173 = arith.extui %lt3A_172 : i1 to i32
      %cond3A_174 = arith.constant 0 : i32
      %cond3A_175 = arith.cmpi ne, %convert_element_type3A_173, %cond3A_174 : i32
      scf.if %cond3A_175 {
        %dma_wait3A_182 = arith.constant 0 : i32
        %dma_wait3A_183 = arith.constant 0 : i32
        %dma_wait3A_184 = tpu.memref_slice %arg2[%dma_wait3A_182, %dma_wait3A_183] : memref<50000x64xf32, #tpu.memory_space<hbm>> -> memref<128x64xf32, #tpu.memory_space<hbm>>
        %dma_wait3A_185 = arith.constant 0 : i32
        %dma_wait3A_186 = arith.constant 0 : i32
        %dma_wait3A_187 = tpu.memref_slice %arg2[%dma_wait3A_185, %dma_wait3A_186] : memref<50000x64xf32, #tpu.memory_space<hbm>> -> memref<128x64xf32, #tpu.memory_space<hbm>>
        tpu.wait_dma2 semaphore(%arg16 : memref<!tpu.dma_semaphore, #tpu.memory_space<semaphore_mem>>) src(%dma_wait3A_187 : memref<128x64xf32, #tpu.memory_space<hbm>>) dst(%arg12 : memref<128x64xf32, #tpu.memory_space<vmem>>)
        %dma_wait3A_188 = arith.constant 0 : i32
        %dma_wait3A_189 = arith.constant 0 : i32
        %dma_wait3A_190 = tpu.memref_slice %arg2[%dma_wait3A_188, %dma_wait3A_189] : memref<50000x64xf32, #tpu.memory_space<hbm>> -> memref<128x64xf32, #tpu.memory_space<hbm>>
        %dma_wait3A_191 = arith.constant 0 : i32
        %dma_wait3A_192 = arith.constant 0 : i32
        %dma_wait3A_193 = tpu.memref_slice %arg2[%dma_wait3A_191, %dma_wait3A_192] : memref<50000x64xf32, #tpu.memory_space<hbm>> -> memref<128x64xf32, #tpu.memory_space<hbm>>
        tpu.wait_dma2 semaphore(%arg16 : memref<!tpu.dma_semaphore, #tpu.memory_space<semaphore_mem>>) src(%dma_wait3A_193 : memref<128x64xf32, #tpu.memory_space<hbm>>) dst(%arg13 : memref<128x64xf32, #tpu.memory_space<vmem>>)
        %scan3A_194 = arith.constant 0 : i32
        %scan3A_195 = arith.constant 0 : i32
        %scan3A_196 = arith.constant 128 : i32
        %scan3A_197 = arith.addi %scan3A_195, %scan3A_196 : i32
        %scan3A_198 = arith.constant 2 : i32
        scf.for %scan3A_270 = %scan3A_195 to %scan3A_197 step %scan3A_198  : i32 {
          %get3A = arith.index_cast %scan3A_270 : i32 to index
          %get3A_271 = arith.constant 0 : index
          %get3A_272 = tpu.vector_load %arg13[%get3A, %get3A_271] {strides = array<i32>} : memref<128x64xf32, #tpu.memory_space<vmem>>, vector<1x16xf32>,
          %get3A_273 = vector.shape_cast %get3A_272 : vector<1x16xf32> to vector<16xf32>
          %swap3A = arith.index_cast %scan3A_270 : i32 to index
          %swap3A_274 = arith.constant 0 : index
          %swap3A_275 = tpu.vector_load %arg12[%swap3A, %swap3A_274] {strides = array<i32>} : memref<128x64xf32, #tpu.memory_space<vmem>>, vector<1x16xf32>,
          %swap3A_276 = vector.shape_cast %swap3A_275 : vector<1x16xf32> to vector<16xf32>
          %swap3A_277 = vector.shape_cast %get3A_273 : vector<16xf32> to vector<1x16xf32>
          tpu.vector_store %arg12[%swap3A, %swap3A_274], %swap3A_277 {add = true, strides = array<i32>} : memref<128x64xf32, #tpu.memory_space<vmem>>, vector<1x16xf32>,
          %get3A_278 = arith.index_cast %scan3A_270 : i32 to index
          %get3A_279 = arith.constant 16 : index
          %get3A_280 = tpu.vector_load %arg13[%get3A_278, %get3A_279] {strides = array<i32>} : memref<128x64xf32, #tpu.memory_space<vmem>>, vector<1x16xf32>,
          %get3A_281 = vector.shape_cast %get3A_280 : vector<1x16xf32> to vector<16xf32>
          %swap3A_282 = arith.index_cast %scan3A_270 : i32 to index
          %swap3A_283 = arith.constant 16 : index
          %swap3A_284 = tpu.vector_load %arg12[%swap3A_282, %swap3A_283] {strides = array<i32>} : memref<128x64xf32, #tpu.memory_space<vmem>>, vector<1x16xf32>,
          %swap3A_285 = vector.shape_cast %swap3A_284 : vector<1x16xf32> to vector<16xf32>
          %swap3A_286 = vector.shape_cast %get3A_281 : vector<16xf32> to vector<1x16xf32>
          tpu.vector_store %arg12[%swap3A_282, %swap3A_283], %swap3A_286 {add = true, strides = array<i32>} : memref<128x64xf32, #tpu.memory_space<vmem>>, vector<1x16xf32>,
          %get3A_287 = arith.index_cast %scan3A_270 : i32 to index
          %get3A_288 = arith.constant 32 : index
          %get3A_289 = tpu.vector_load %arg13[%get3A_287, %get3A_288] {strides = array<i32>} : memref<128x64xf32, #tpu.memory_space<vmem>>, vector<1x16xf32>,
          %get3A_290 = vector.shape_cast %get3A_289 : vector<1x16xf32> to vector<16xf32>
          %swap3A_291 = arith.index_cast %scan3A_270 : i32 to index
          %swap3A_292 = arith.constant 32 : index
          %swap3A_293 = tpu.vector_load %arg12[%swap3A_291, %swap3A_292] {strides = array<i32>} : memref<128x64xf32, #tpu.memory_space<vmem>>, vector<1x16xf32>,
          %swap3A_294 = vector.shape_cast %swap3A_293 : vector<1x16xf32> to vector<16xf32>
          %swap3A_295 = vector.shape_cast %get3A_290 : vector<16xf32> to vector<1x16xf32>
          tpu.vector_store %arg12[%swap3A_291, %swap3A_292], %swap3A_295 {add = true, strides = array<i32>} : memref<128x64xf32, #tpu.memory_space<vmem>>, vector<1x16xf32>,
          %get3A_296 = arith.index_cast %scan3A_270 : i32 to index
          %get3A_297 = arith.constant 48 : index
          %get3A_298 = tpu.vector_load %arg13[%get3A_296, %get3A_297] {strides = array<i32>} : memref<128x64xf32, #tpu.memory_space<vmem>>, vector<1x16xf32>,
          %get3A_299 = vector.shape_cast %get3A_298 : vector<1x16xf32> to vector<16xf32>
          %swap3A_300 = arith.index_cast %scan3A_270 : i32 to index
          %swap3A_301 = arith.constant 48 : index
          %swap3A_302 = tpu.vector_load %arg12[%swap3A_300, %swap3A_301] {strides = array<i32>} : memref<128x64xf32, #tpu.memory_space<vmem>>, vector<1x16xf32>,
          %swap3A_303 = vector.shape_cast %swap3A_302 : vector<1x16xf32> to vector<16xf32>
          %swap3A_304 = vector.shape_cast %get3A_299 : vector<16xf32> to vector<1x16xf32>
          tpu.vector_store %arg12[%swap3A_300, %swap3A_301], %swap3A_304 {add = true, strides = array<i32>} : memref<128x64xf32, #tpu.memory_space<vmem>>, vector<1x16xf32>,
          %scan3A_305 = arith.constant 1 : i32
          %scan3A_306 = arith.addi %scan3A_270, %scan3A_305 : i32
          %get3A_307 = arith.index_cast %scan3A_306 : i32 to index
          %get3A_308 = arith.constant 0 : index
          %get3A_309 = tpu.vector_load %arg13[%get3A_307, %get3A_308] {strides = array<i32>} : memref<128x64xf32, #tpu.memory_space<vmem>>, vector<1x16xf32>,
          %get3A_310 = vector.shape_cast %get3A_309 : vector<1x16xf32> to vector<16xf32>
          %swap3A_311 = arith.index_cast %scan3A_306 : i32 to index
          %swap3A_312 = arith.constant 0 : index
          %swap3A_313 = tpu.vector_load %arg12[%swap3A_311, %swap3A_312] {strides = array<i32>} : memref<128x64xf32, #tpu.memory_space<vmem>>, vector<1x16xf32>,
          %swap3A_314 = vector.shape_cast %swap3A_313 : vector<1x16xf32> to vector<16xf32>
          %swap3A_315 = vector.shape_cast %get3A_310 : vector<16xf32> to vector<1x16xf32>
          tpu.vector_store %arg12[%swap3A_311, %swap3A_312], %swap3A_315 {add = true, strides = array<i32>} : memref<128x64xf32, #tpu.memory_space<vmem>>, vector<1x16xf32>,
          %get3A_316 = arith.index_cast %scan3A_306 : i32 to index
          %get3A_317 = arith.constant 16 : index
          %get3A_318 = tpu.vector_load %arg13[%get3A_316, %get3A_317] {strides = array<i32>} : memref<128x64xf32, #tpu.memory_space<vmem>>, vector<1x16xf32>,
          %get3A_319 = vector.shape_cast %get3A_318 : vector<1x16xf32> to vector<16xf32>
          %swap3A_320 = arith.index_cast %scan3A_306 : i32 to index
          %swap3A_321 = arith.constant 16 : index
          %swap3A_322 = tpu.vector_load %arg12[%swap3A_320, %swap3A_321] {strides = array<i32>} : memref<128x64xf32, #tpu.memory_space<vmem>>, vector<1x16xf32>,
          %swap3A_323 = vector.shape_cast %swap3A_322 : vector<1x16xf32> to vector<16xf32>
          %swap3A_324 = vector.shape_cast %get3A_319 : vector<16xf32> to vector<1x16xf32>
          tpu.vector_store %arg12[%swap3A_320, %swap3A_321], %swap3A_324 {add = true, strides = array<i32>} : memref<128x64xf32, #tpu.memory_space<vmem>>, vector<1x16xf32>,
          %get3A_325 = arith.index_cast %scan3A_306 : i32 to index
          %get3A_326 = arith.constant 32 : index
          %get3A_327 = tpu.vector_load %arg13[%get3A_325, %get3A_326] {strides = array<i32>} : memref<128x64xf32, #tpu.memory_space<vmem>>, vector<1x16xf32>,
          %get3A_328 = vector.shape_cast %get3A_327 : vector<1x16xf32> to vector<16xf32>
          %swap3A_329 = arith.index_cast %scan3A_306 : i32 to index
          %swap3A_330 = arith.constant 32 : index
          %swap3A_331 = tpu.vector_load %arg12[%swap3A_329, %swap3A_330] {strides = array<i32>} : memref<128x64xf32, #tpu.memory_space<vmem>>, vector<1x16xf32>,
          %swap3A_332 = vector.shape_cast %swap3A_331 : vector<1x16xf32> to vector<16xf32>
          %swap3A_333 = vector.shape_cast %get3A_328 : vector<16xf32> to vector<1x16xf32>
          tpu.vector_store %arg12[%swap3A_329, %swap3A_330], %swap3A_333 {add = true, strides = array<i32>} : memref<128x64xf32, #tpu.memory_space<vmem>>, vector<1x16xf32>,
          %get3A_334 = arith.index_cast %scan3A_306 : i32 to index
          %get3A_335 = arith.constant 48 : index
          %get3A_336 = tpu.vector_load %arg13[%get3A_334, %get3A_335] {strides = array<i32>} : memref<128x64xf32, #tpu.memory_space<vmem>>, vector<1x16xf32>,
          %get3A_337 = vector.shape_cast %get3A_336 : vector<1x16xf32> to vector<16xf32>
          %swap3A_338 = arith.index_cast %scan3A_306 : i32 to index
          %swap3A_339 = arith.constant 48 : index
          %swap3A_340 = tpu.vector_load %arg12[%swap3A_338, %swap3A_339] {strides = array<i32>} : memref<128x64xf32, #tpu.memory_space<vmem>>, vector<1x16xf32>,
          %swap3A_341 = vector.shape_cast %swap3A_340 : vector<1x16xf32> to vector<16xf32>
          %swap3A_342 = vector.shape_cast %get3A_337 : vector<16xf32> to vector<1x16xf32>
          tpu.vector_store %arg12[%swap3A_338, %swap3A_339], %swap3A_342 {add = true, strides = array<i32>} : memref<128x64xf32, #tpu.memory_space<vmem>>, vector<1x16xf32>,
        }
        %scan3A_199 = arith.constant 128 : i32
        %mul3A_200 = arith.constant 128 : i32
        %mul3A_201 = arith.muli %add3A_171, %mul3A_200 : i32
        %add3A_202 = arith.addi %mul3A_10, %mul3A_201 : i32
        %jit3A_203 = arith.constant 6400 : i32
        %div3A_204 = arith.divsi %add3A_202, %jit3A_203 : i32
        %sign3A_205 = arith.constant 0 : i32
        %sign3A_206 = arith.cmpi sgt, %add3A_202, %sign3A_205 : i32
        %sign3A_207 = arith.extui %sign3A_206 : i1 to i32
        %sign3A_208 = arith.constant 0 : i32
        %sign3A_209 = arith.cmpi slt, %add3A_202, %sign3A_208 : i32
        %sign3A_210 = arith.extui %sign3A_209 : i1 to i32
        %sign3A_211 = arith.subi %sign3A_207, %sign3A_210 : i32
        %sign3A_212 = arith.constant 0 : i32
        %sign3A_213 = arith.cmpi sgt, %jit3A_203, %sign3A_212 : i32
        %sign3A_214 = arith.extui %sign3A_213 : i1 to i32
        %sign3A_215 = arith.constant 0 : i32
        %sign3A_216 = arith.cmpi slt, %jit3A_203, %sign3A_215 : i32
        %sign3A_217 = arith.extui %sign3A_216 : i1 to i32
        %sign3A_218 = arith.subi %sign3A_214, %sign3A_217 : i32
        %ne3A_219 = arith.cmpi ne, %sign3A_211, %sign3A_218 : i32
        %rem3A_220 = arith.remsi %add3A_202, %jit3A_203 : i32
        %ne3A_221 = arith.constant 0 : i32
        %ne3A_222 = arith.cmpi ne, %rem3A_220, %ne3A_221 : i32
        %and3A_223 = arith.andi %ne3A_219, %ne3A_222 : i1
        %sub3A_224 = arith.constant 1 : i32
        %sub3A_225 = arith.subi %div3A_204, %sub3A_224 : i32
        %select_n3A_226 = arith.select %and3A_223, %sub3A_225, %div3A_204 : i32
        %mul3A_227 = arith.constant 6400 : i32
        %mul3A_228 = arith.muli %select_n3A_226, %mul3A_227 : i32
        %sub3A_229 = arith.subi %add3A_202, %mul3A_228 : i32
        %jit3A_230 = arith.constant 3200 : i32
        %div3A_231 = arith.divsi %sub3A_229, %jit3A_230 : i32
        %sign3A_232 = arith.constant 0 : i32
        %sign3A_233 = arith.cmpi sgt, %sub3A_229, %sign3A_232 : i32
        %sign3A_234 = arith.extui %sign3A_233 : i1 to i32
        %sign3A_235 = arith.constant 0 : i32
        %sign3A_236 = arith.cmpi slt, %sub3A_229, %sign3A_235 : i32
        %sign3A_237 = arith.extui %sign3A_236 : i1 to i32
        %sign3A_238 = arith.subi %sign3A_234, %sign3A_237 : i32
        %sign3A_239 = arith.constant 0 : i32
        %sign3A_240 = arith.cmpi sgt, %jit3A_230, %sign3A_239 : i32
        %sign3A_241 = arith.extui %sign3A_240 : i1 to i32
        %sign3A_242 = arith.constant 0 : i32
        %sign3A_243 = arith.cmpi slt, %jit3A_230, %sign3A_242 : i32
        %sign3A_244 = arith.extui %sign3A_243 : i1 to i32
        %sign3A_245 = arith.subi %sign3A_241, %sign3A_244 : i32
        %ne3A_246 = arith.cmpi ne, %sign3A_238, %sign3A_245 : i32
        %rem3A_247 = arith.remsi %sub3A_229, %jit3A_230 : i32
        %ne3A_248 = arith.constant 0 : i32
        %ne3A_249 = arith.cmpi ne, %rem3A_247, %ne3A_248 : i32
        %and3A_250 = arith.andi %ne3A_246, %ne3A_249 : i1
        %sub3A_251 = arith.constant 1 : i32
        %sub3A_252 = arith.subi %div3A_231, %sub3A_251 : i32
        %select_n3A_253 = arith.select %and3A_250, %sub3A_252, %div3A_231 : i32
        %mul3A_254 = arith.constant 3200 : i32
        %mul3A_255 = arith.muli %select_n3A_226, %mul3A_254 : i32
        %mul3A_256 = arith.constant 3200 : i32
        %mul3A_257 = arith.muli %select_n3A_253, %mul3A_256 : i32
        %sub3A_258 = arith.subi %sub3A_229, %mul3A_257 : i32
        %add3A_259 = arith.addi %mul3A_255, %sub3A_258 : i32
        %eq3A_260 = arith.constant 0 : i32
        %eq3A_261 = arith.cmpi eq, %select_n3A_253, %eq3A_260 : i32
        %convert_element_type3A_262 = arith.extui %eq3A_261 : i1 to i32
        %cond3A_263 = arith.constant 0 : i32
        %cond3A_264 = arith.cmpi ne, %convert_element_type3A_262, %cond3A_263 : i32
        scf.if %cond3A_264 {
          "tpu.region"() ({
            %run_scoped3A_270 = tpu.sem_alloc : memref<!tpu.dma_semaphore, #tpu.memory_space<semaphore_mem>>
            %dma_start3A_271 = arith.constant 0 : i32
            %dma_start3A_272 = tpu.memref_slice %arg5[%add3A_259, %dma_start3A_271] : memref<400000x128xf32, #tpu.memory_space<hbm>> -> memref<128x64xf32, #tpu.memory_space<hbm>>
            %dma_start3A_273 = arith.constant 0 : i32
            %dma_start3A_274 = tpu.memref_slice %arg5[%add3A_259, %dma_start3A_273] : memref<400000x128xf32, #tpu.memory_space<hbm>> -> memref<128x64xf32, #tpu.memory_space<hbm>>
            tpu.enqueue_dma source(%arg12 : memref<128x64xf32, #tpu.memory_space<vmem>>) target(%dma_start3A_274 : memref<128x64xf32, #tpu.memory_space<hbm>>) target_semaphore(%run_scoped3A_270 : memref<!tpu.dma_semaphore, #tpu.memory_space<semaphore_mem>>)
            %dma_wait3A_275 = arith.constant 0 : i32
            %dma_wait3A_276 = tpu.memref_slice %arg5[%add3A_259, %dma_wait3A_275] : memref<400000x128xf32, #tpu.memory_space<hbm>> -> memref<128x64xf32, #tpu.memory_space<hbm>>
            %dma_wait3A_277 = arith.constant 0 : i32
            %dma_wait3A_278 = tpu.memref_slice %arg5[%add3A_259, %dma_wait3A_277] : memref<400000x128xf32, #tpu.memory_space<hbm>> -> memref<128x64xf32, #tpu.memory_space<hbm>>
            tpu.wait_dma2 semaphore(%run_scoped3A_270 : memref<!tpu.dma_semaphore, #tpu.memory_space<semaphore_mem>>) src(%arg12 : memref<128x64xf32, #tpu.memory_space<vmem>>) dst(%dma_wait3A_278 : memref<128x64xf32, #tpu.memory_space<hbm>>)
            tpu.yield
          }) : () -> ()
        } else {
        }
        %eq3A_265 = arith.constant 1 : i32
        %eq3A_266 = arith.cmpi eq, %select_n3A_253, %eq3A_265 : i32
        %convert_element_type3A_267 = arith.extui %eq3A_266 : i1 to i32
        %cond3A_268 = arith.constant 0 : i32
        %cond3A_269 = arith.cmpi ne, %convert_element_type3A_267, %cond3A_268 : i32
        scf.if %cond3A_269 {
          "tpu.region"() ({
            %run_scoped3A_270 = tpu.sem_alloc : memref<!tpu.dma_semaphore, #tpu.memory_space<semaphore_mem>>
            %dma_start3A_271 = arith.constant 64 : i32
            %dma_start3A_272 = tpu.memref_slice %arg5[%add3A_259, %dma_start3A_271] : memref<400000x128xf32, #tpu.memory_space<hbm>> -> memref<128x64xf32, #tpu.memory_space<hbm>>
            %dma_start3A_273 = arith.constant 64 : i32
            %dma_start3A_274 = tpu.memref_slice %arg5[%add3A_259, %dma_start3A_273] : memref<400000x128xf32, #tpu.memory_space<hbm>> -> memref<128x64xf32, #tpu.memory_space<hbm>>
            tpu.enqueue_dma source(%arg12 : memref<128x64xf32, #tpu.memory_space<vmem>>) target(%dma_start3A_274 : memref<128x64xf32, #tpu.memory_space<hbm>>) target_semaphore(%run_scoped3A_270 : memref<!tpu.dma_semaphore, #tpu.memory_space<semaphore_mem>>)
            %dma_wait3A_275 = arith.constant 64 : i32
            %dma_wait3A_276 = tpu.memref_slice %arg5[%add3A_259, %dma_wait3A_275] : memref<400000x128xf32, #tpu.memory_space<hbm>> -> memref<128x64xf32, #tpu.memory_space<hbm>>
            %dma_wait3A_277 = arith.constant 64 : i32
            %dma_wait3A_278 = tpu.memref_slice %arg5[%add3A_259, %dma_wait3A_277] : memref<400000x128xf32, #tpu.memory_space<hbm>> -> memref<128x64xf32, #tpu.memory_space<hbm>>
            tpu.wait_dma2 semaphore(%run_scoped3A_270 : memref<!tpu.dma_semaphore, #tpu.memory_space<semaphore_mem>>) src(%arg12 : memref<128x64xf32, #tpu.memory_space<vmem>>) dst(%dma_wait3A_278 : memref<128x64xf32, #tpu.memory_space<hbm>>)
            tpu.yield
          }) : () -> ()
        } else {
        }
      } else {
      }
      %add3A_176 = arith.constant 3 : i32
      %add3A_177 = arith.addi %add3A_171, %add3A_176 : i32
      %lt3A_178 = arith.cmpi slt, %add3A_177, %add3A_4 : i32
      %convert_element_type3A_179 = arith.extui %lt3A_178 : i1 to i32
      %cond3A_180 = arith.constant 0 : i32
      %cond3A_181 = arith.cmpi ne, %convert_element_type3A_179, %cond3A_180 : i32
      scf.if %cond3A_181 {
        %add3A_182 = arith.constant 3 : i32
        %add3A_183 = arith.addi %add3A_171, %add3A_182 : i32
        %mul3A_184 = arith.constant 128 : i32
        %mul3A_185 = arith.muli %add3A_183, %mul3A_184 : i32
        %dma_start3A_186 = tpu.memref_slice %arg6[%mul3A_185] : memref<25088xi32, #tpu.memory_space<vmem>> -> memref<128xi32, #tpu.memory_space<vmem>>
        %dma_start3A_187 = arith.constant 0 : i32
        %dma_start3A_188 = arith.constant 0 : i32
        %dma_start3A_189 = tpu.memref_slice %arg2[%dma_start3A_187, %dma_start3A_188] : memref<50000x64xf32, #tpu.memory_space<hbm>> -> memref<50000x64xf32, #tpu.memory_space<hbm>>
        tpu.enqueue_indirect_dma source(%dma_start3A_189 : memref<50000x64xf32, #tpu.memory_space<hbm>>) target(%arg12 : memref<128x64xf32, #tpu.memory_space<vmem>>) offsets(%dma_start3A_186 : memref<128xi32, #tpu.memory_space<vmem>>) semaphore(%arg16 : memref<!tpu.dma_semaphore, #tpu.memory_space<semaphore_mem>>)
        %dma_start3A_190 = tpu.memref_slice %arg7[%mul3A_185] : memref<25088xi32, #tpu.memory_space<vmem>> -> memref<128xi32, #tpu.memory_space<vmem>>
        %dma_start3A_191 = arith.constant 0 : i32
        %dma_start3A_192 = arith.constant 0 : i32
        %dma_start3A_193 = tpu.memref_slice %arg3[%dma_start3A_191, %dma_start3A_192] : memref<50000x64xf32, #tpu.memory_space<hbm>> -> memref<50000x64xf32, #tpu.memory_space<hbm>>
        tpu.enqueue_indirect_dma source(%dma_start3A_193 : memref<50000x64xf32, #tpu.memory_space<hbm>>) target(%arg13 : memref<128x64xf32, #tpu.memory_space<vmem>>) offsets(%dma_start3A_190 : memref<128xi32, #tpu.memory_space<vmem>>) semaphore(%arg16 : memref<!tpu.dma_semaphore, #tpu.memory_space<semaphore_mem>>)
      } else {
      }
    }
    return
  }
}

module attributes {stable_mosaic.version = 14 : i64} {
  func.func @_tables_body(%arg0: i32, %arg1: memref<64x2048xf32, #tpu.memory_space<vmem>>, %arg2: memref<64x64xf32, #tpu.memory_space<vmem>>, %arg3: memref<64x64xf32, #tpu.memory_space<vmem>>, %arg4: memref<1x64xf32, #tpu.memory_space<vmem>>, %arg5: memref<2048x64xf32, #tpu.memory_space<vmem>>, %arg6: memref<2048x64xf32, #tpu.memory_space<vmem>>) attributes {dimension_semantics = [#tpu.dimension_semantics<arbitrary>], iteration_bounds = array<i64: 25>, scalar_prefetch = 0 : i64, scratch_operands = 0 : i64, tpu.core_type = #tpu.core_type<tc>, window_params = [{transform_indices = @transform_0, window_bounds = array<i64: 64, 2048>}, {pipeline_mode = #tpu.pipeline_mode<synchronous>, transform_indices = @transform_1, window_bounds = array<i64: 64, 64>}, {pipeline_mode = #tpu.pipeline_mode<synchronous>, transform_indices = @transform_2, window_bounds = array<i64: 64, 64>}, {pipeline_mode = #tpu.pipeline_mode<synchronous>, transform_indices = @transform_3, window_bounds = array<i64: 1, 64>}, {transform_indices = @transform_4, window_bounds = array<i64: 2048, 64>}, {transform_indices = @transform_5, window_bounds = array<i64: 2048, 64>}]} {
    %get3A = arith.constant 0 : index
    %get3A_0 = arith.constant 0 : index
    %get3A_1 = vector.load %arg1[%get3A, %get3A_0] : memref<64x2048xf32, #tpu.memory_space<vmem>>, vector<64x2048xf32>
    %get3A_2 = arith.constant 0 : index
    %get3A_3 = arith.constant 0 : index
    %get3A_4 = vector.load %arg2[%get3A_2, %get3A_3] : memref<64x64xf32, #tpu.memory_space<vmem>>, vector<64x64xf32>
    %dot_general3A = arith.constant dense<0.000000e+00> : vector<2048x64xf32>
    %dot_general3A_5 = tpu.matmul %get3A_1, %get3A_4, %dot_general3A {dimension_numbers = #tpu.dot_dimension_numbers<[0], [0], [1], [1], [0, 1, 1, 1], [], []>, transpose_lhs_hint = false} : vector<64x2048xf32>, vector<64x64xf32>, vector<2048x64xf32> -> vector<2048x64xf32>
    %get3A_6 = arith.constant 0 : index
    %get3A_7 = arith.constant 0 : index
    %get3A_8 = vector.load %arg4[%get3A_6, %get3A_7] : memref<1x64xf32, #tpu.memory_space<vmem>>, vector<1x64xf32>
    %add3A = vector.broadcast %get3A_8 : vector<1x64xf32> to vector<2048x64xf32>
    %add3A_9 = arith.addf %dot_general3A_5, %add3A : vector<2048x64xf32>
    %get3A_10 = arith.constant 0 : index
    %get3A_11 = arith.constant 0 : index
    %get3A_12 = vector.load %arg3[%get3A_10, %get3A_11] : memref<64x64xf32, #tpu.memory_space<vmem>>, vector<64x64xf32>
    %dot_general3A_13 = arith.constant dense<0.000000e+00> : vector<2048x64xf32>
    %dot_general3A_14 = tpu.matmul %get3A_1, %get3A_12, %dot_general3A_13 {dimension_numbers = #tpu.dot_dimension_numbers<[0], [0], [1], [1], [0, 1, 1, 1], [], []>, transpose_lhs_hint = false} : vector<64x2048xf32>, vector<64x64xf32>, vector<2048x64xf32> -> vector<2048x64xf32>
    %swap3A = arith.constant 0 : index
    %swap3A_15 = arith.constant 0 : index
    %swap3A_16 = vector.load %arg5[%swap3A, %swap3A_15] : memref<2048x64xf32, #tpu.memory_space<vmem>>, vector<2048x64xf32>
    tpu.vector_store %arg5[%swap3A, %swap3A_15], %add3A_9 {strides = array<i32>} : memref<2048x64xf32, #tpu.memory_space<vmem>>, vector<2048x64xf32>,
    %swap3A_17 = arith.constant 0 : index
    %swap3A_18 = arith.constant 0 : index
    %swap3A_19 = vector.load %arg6[%swap3A_17, %swap3A_18] : memref<2048x64xf32, #tpu.memory_space<vmem>>, vector<2048x64xf32>
    tpu.vector_store %arg6[%swap3A_17, %swap3A_18], %dot_general3A_14 {strides = array<i32>} : memref<2048x64xf32, #tpu.memory_space<vmem>>, vector<2048x64xf32>,
    return
  }
  func.func @transform_0(%arg0: i32) -> (i32, i32) {
    %c0_i32 = arith.constant 0 : i32
    %c0_i32_0 = arith.constant 0 : i32
    return %c0_i32, %arg0 : i32, i32
  }
  func.func @transform_1(%arg0: i32) -> (i32, i32) {
    %c0_i32 = arith.constant 0 : i32
    %c0_i32_0 = arith.constant 0 : i32
    %c0_i32_1 = arith.constant 0 : i32
    return %c0_i32, %c0_i32_0 : i32, i32
  }
  func.func @transform_2(%arg0: i32) -> (i32, i32) {
    %c0_i32 = arith.constant 0 : i32
    %c0_i32_0 = arith.constant 0 : i32
    %c0_i32_1 = arith.constant 0 : i32
    return %c0_i32, %c0_i32_0 : i32, i32
  }
  func.func @transform_3(%arg0: i32) -> (i32, i32) {
    %c0_i32 = arith.constant 0 : i32
    %c0_i32_0 = arith.constant 0 : i32
    %c0_i32_1 = arith.constant 0 : i32
    return %c0_i32, %c0_i32_0 : i32, i32
  }
  func.func @transform_4(%arg0: i32) -> (i32, i32) {
    %c0_i32 = arith.constant 0 : i32
    %c0_i32_0 = arith.constant 0 : i32
    return %arg0, %c0_i32 : i32, i32
  }
  func.func @transform_5(%arg0: i32) -> (i32, i32) {
    %c0_i32 = arith.constant 0 : i32
    %c0_i32_0 = arith.constant 0 : i32
    return %arg0, %c0_i32 : i32, i32
  }
}

module attributes {stable_mosaic.version = 14 : i64} {
  func.func @_mlp_body(%arg0: i32, %arg1: memref<64x6400xf32, #tpu.memory_space<vmem>>, %arg2: memref<16x6400xf32, #tpu.memory_space<vmem>>, %arg3: memref<3200x128xf32, #tpu.memory_space<vmem>>, %arg4: memref<64x128xf32, #tpu.memory_space<vmem>>, %arg5: memref<64x128xf32, #tpu.memory_space<vmem>>, %arg6: memref<64x64xf32, #tpu.memory_space<vmem>>, %arg7: memref<64x16xf32, #tpu.memory_space<vmem>>, %arg8: memref<64x64xf32, #tpu.memory_space<vmem>>, %arg9: memref<64x1xf32, #tpu.memory_space<vmem>>, %arg10: memref<64x1xf32, #tpu.memory_space<vmem>>, %arg11: memref<64x1xf32, #tpu.memory_space<vmem>>, %arg12: memref<64x6400xf32, #tpu.memory_space<vmem>>) attributes {dimension_semantics = [#tpu.dimension_semantics<arbitrary>], iteration_bounds = array<i64: 125>, scalar_prefetch = 0 : i64, scratch_operands = 0 : i64, tpu.core_type = #tpu.core_type<tc>, window_params = [{transform_indices = @transform_0, window_bounds = array<i64: 64, 6400>}, {transform_indices = @transform_1, window_bounds = array<i64: 16, 6400>}, {transform_indices = @transform_2, window_bounds = array<i64: 3200, 128>}, {pipeline_mode = #tpu.pipeline_mode<synchronous>, transform_indices = @transform_3, window_bounds = array<i64: 64, 128>}, {pipeline_mode = #tpu.pipeline_mode<synchronous>, transform_indices = @transform_4, window_bounds = array<i64: 64, 128>}, {pipeline_mode = #tpu.pipeline_mode<synchronous>, transform_indices = @transform_5, window_bounds = array<i64: 64, 64>}, {pipeline_mode = #tpu.pipeline_mode<synchronous>, transform_indices = @transform_6, window_bounds = array<i64: 64, 16>}, {pipeline_mode = #tpu.pipeline_mode<synchronous>, transform_indices = @transform_7, window_bounds = array<i64: 64, 64>}, {pipeline_mode = #tpu.pipeline_mode<synchronous>, transform_indices = @transform_8, window_bounds = array<i64: 64, 1>}, {pipeline_mode = #tpu.pipeline_mode<synchronous>, transform_indices = @transform_9, window_bounds = array<i64: 64, 1>}, {pipeline_mode = #tpu.pipeline_mode<synchronous>, transform_indices = @transform_10, window_bounds = array<i64: 64, 1>}, {transform_indices = @transform_11, window_bounds = array<i64: 64, 6400>}]} {
    %get3A = arith.constant 0 : index
    %get3A_0 = arith.constant 0 : index
    %get3A_1 = vector.load %arg1[%get3A, %get3A_0] : memref<64x6400xf32, #tpu.memory_space<vmem>>, vector<64x6400xf32>
    %get3A_2 = arith.constant 0 : index
    %get3A_3 = arith.constant 0 : index
    %get3A_4 = vector.load %arg3[%get3A_2, %get3A_3] : memref<3200x128xf32, #tpu.memory_space<vmem>>, vector<3200x128xf32>
    %get3A_5 = arith.constant 0 : index
    %get3A_6 = arith.constant 0 : index
    %get3A_7 = vector.load %arg4[%get3A_5, %get3A_6] : memref<64x128xf32, #tpu.memory_space<vmem>>, vector<64x128xf32>
    %dot_general3A = arith.constant dense<0.000000e+00> : vector<64x3200xf32>
    %dot_general3A_8 = tpu.matmul %get3A_7, %get3A_4, %dot_general3A {dimension_numbers = #tpu.dot_dimension_numbers<[1], [1], [0], [0], [0, 0, 1, 0], [], []>, transpose_lhs_hint = false} : vector<64x128xf32>, vector<3200x128xf32>, vector<64x3200xf32> -> vector<64x3200xf32>
    %get3A_9 = arith.constant 0 : index
    %get3A_10 = arith.constant 0 : index
    %get3A_11 = vector.load %arg5[%get3A_9, %get3A_10] : memref<64x128xf32, #tpu.memory_space<vmem>>, vector<64x128xf32>
    %dot_general3A_12 = arith.constant dense<0.000000e+00> : vector<64x3200xf32>
    %dot_general3A_13 = tpu.matmul %get3A_11, %get3A_4, %dot_general3A_12 {dimension_numbers = #tpu.dot_dimension_numbers<[1], [1], [0], [0], [0, 0, 1, 0], [], []>, transpose_lhs_hint = false} : vector<64x128xf32>, vector<3200x128xf32>, vector<64x3200xf32> -> vector<64x3200xf32>
    %concatenate3A = tpu.concatenate %dot_general3A_8, %dot_general3A_13 in 1 : vector<64x3200xf32>, vector<64x3200xf32> -> vector<64x6400xf32>
    %get3A_14 = arith.constant 0 : index
    %get3A_15 = arith.constant 0 : index
    %get3A_16 = vector.load %arg6[%get3A_14, %get3A_15] : memref<64x64xf32, #tpu.memory_space<vmem>>, vector<64x64xf32>
    %dot_general3A_17 = arith.constant dense<0.000000e+00> : vector<64x6400xf32>
    %dot_general3A_18 = tpu.matmul %get3A_16, %get3A_1, %dot_general3A_17 {dimension_numbers = #tpu.dot_dimension_numbers<[1], [0], [0], [1], [0, 0, 1, 1], [], []>, transpose_lhs_hint = false} : vector<64x64xf32>, vector<64x6400xf32>, vector<64x6400xf32> -> vector<64x6400xf32>
    %get3A_19 = arith.constant 0 : index
    %get3A_20 = arith.constant 0 : index
    %get3A_21 = vector.load %arg7[%get3A_19, %get3A_20] : memref<64x16xf32, #tpu.memory_space<vmem>>, vector<64x16xf32>
    %get3A_22 = arith.constant 0 : index
    %get3A_23 = arith.constant 0 : index
    %get3A_24 = vector.load %arg2[%get3A_22, %get3A_23] : memref<16x6400xf32, #tpu.memory_space<vmem>>, vector<16x6400xf32>
    %dot_general3A_25 = arith.constant dense<0.000000e+00> : vector<64x6400xf32>
    %dot_general3A_26 = tpu.matmul %get3A_21, %get3A_24, %dot_general3A_25 {dimension_numbers = #tpu.dot_dimension_numbers<[1], [0], [0], [1], [0, 0, 1, 1], [], []>, transpose_lhs_hint = false} : vector<64x16xf32>, vector<16x6400xf32>, vector<64x6400xf32> -> vector<64x6400xf32>
    %add3A = arith.addf %dot_general3A_18, %dot_general3A_26 : vector<64x6400xf32>
    %add3A_27 = arith.addf %add3A, %concatenate3A : vector<64x6400xf32>
    %logistic3A = arith.negf %add3A_27 : vector<64x6400xf32>
    %logistic3A_28 = math.exp %logistic3A : vector<64x6400xf32>
    %logistic3A_29 = arith.constant 1.000000e+00 : f32
    %logistic3A_30 = vector.broadcast %logistic3A_29 : f32 to vector<64x6400xf32>
    %logistic3A_31 = arith.addf %logistic3A_30, %logistic3A_28 : vector<64x6400xf32>
    %logistic3A_32 = arith.divf %logistic3A_30, %logistic3A_31 : vector<64x6400xf32>
    %mul3A = arith.mulf %add3A_27, %logistic3A_32 : vector<64x6400xf32>
    %get3A_33 = arith.constant 0 : index
    %get3A_34 = arith.constant 0 : index
    %get3A_35 = vector.load %arg8[%get3A_33, %get3A_34] : memref<64x64xf32, #tpu.memory_space<vmem>>, vector<64x64xf32>
    %dot_general3A_36 = arith.constant dense<0.000000e+00> : vector<64x6400xf32>
    %dot_general3A_37 = tpu.matmul %get3A_35, %mul3A, %dot_general3A_36 {dimension_numbers = #tpu.dot_dimension_numbers<[1], [0], [0], [1], [0, 0, 1, 1], [], []>, transpose_lhs_hint = false} : vector<64x64xf32>, vector<64x6400xf32>, vector<64x6400xf32> -> vector<64x6400xf32>
    %get3A_38 = arith.constant 0 : index
    %get3A_39 = arith.constant 0 : index
    %get3A_40 = vector.load %arg9[%get3A_38, %get3A_39] : memref<64x1xf32, #tpu.memory_space<vmem>>, vector<64x1xf32>
    %add3A_41 = vector.broadcast %get3A_40 : vector<64x1xf32> to vector<64x6400xf32>
    %add3A_42 = arith.addf %dot_general3A_37, %add3A_41 : vector<64x6400xf32>
    %logistic3A_43 = arith.negf %add3A_42 : vector<64x6400xf32>
    %logistic3A_44 = math.exp %logistic3A_43 : vector<64x6400xf32>
    %logistic3A_45 = arith.constant 1.000000e+00 : f32
    %logistic3A_46 = vector.broadcast %logistic3A_45 : f32 to vector<64x6400xf32>
    %logistic3A_47 = arith.addf %logistic3A_46, %logistic3A_44 : vector<64x6400xf32>
    %logistic3A_48 = arith.divf %logistic3A_46, %logistic3A_47 : vector<64x6400xf32>
    %mul3A_49 = arith.mulf %add3A_42, %logistic3A_48 : vector<64x6400xf32>
    %add3A_50 = arith.addf %get3A_1, %mul3A_49 : vector<64x6400xf32>
    %reduce_sum3A = arith.constant dense<0.000000e+00> : vector<6400xf32>
    %reduce_sum3A_51 = vector.multi_reduction <add>, %add3A_50, %reduce_sum3A [0] : vector<64x6400xf32> to vector<6400xf32>
    %broadcast_in_dim3A = vector.shape_cast %reduce_sum3A_51 : vector<6400xf32> to vector<1x6400xf32>
    %div3A = arith.constant 6.400000e+01 : f32
    %div3A_52 = vector.broadcast %div3A : f32 to vector<1x6400xf32>
    %div3A_53 = arith.divf %broadcast_in_dim3A, %div3A_52 : vector<1x6400xf32>
    %sub3A = vector.broadcast %div3A_53 : vector<1x6400xf32> to vector<64x6400xf32>
    %sub3A_54 = arith.subf %add3A_50, %sub3A : vector<64x6400xf32>
    %mul3A_55 = arith.mulf %sub3A_54, %sub3A_54 : vector<64x6400xf32>
    %reduce_sum3A_56 = arith.constant dense<0.000000e+00> : vector<6400xf32>
    %reduce_sum3A_57 = vector.multi_reduction <add>, %mul3A_55, %reduce_sum3A_56 [0] : vector<64x6400xf32> to vector<6400xf32>
    %broadcast_in_dim3A_58 = vector.shape_cast %reduce_sum3A_57 : vector<6400xf32> to vector<1x6400xf32>
    %div3A_59 = arith.constant 6.400000e+01 : f32
    %div3A_60 = vector.broadcast %div3A_59 : f32 to vector<1x6400xf32>
    %div3A_61 = arith.divf %broadcast_in_dim3A_58, %div3A_60 : vector<1x6400xf32>
    %add3A_62 = arith.constant 9.99999974E-6 : f32
    %add3A_63 = vector.broadcast %add3A_62 : f32 to vector<1x6400xf32>
    %add3A_64 = arith.addf %div3A_61, %add3A_63 : vector<1x6400xf32>
    %rsqrt3A = math.rsqrt %add3A_64 : vector<1x6400xf32>
    %mul3A_65 = vector.broadcast %rsqrt3A : vector<1x6400xf32> to vector<64x6400xf32>
    %mul3A_66 = arith.mulf %sub3A_54, %mul3A_65 : vector<64x6400xf32>
    %get3A_67 = arith.constant 0 : index
    %get3A_68 = arith.constant 0 : index
    %get3A_69 = vector.load %arg10[%get3A_67, %get3A_68] : memref<64x1xf32, #tpu.memory_space<vmem>>, vector<64x1xf32>
    %mul3A_70 = vector.broadcast %get3A_69 : vector<64x1xf32> to vector<64x6400xf32>
    %mul3A_71 = arith.mulf %mul3A_66, %mul3A_70 : vector<64x6400xf32>
    %get3A_72 = arith.constant 0 : index
    %get3A_73 = arith.constant 0 : index
    %get3A_74 = vector.load %arg11[%get3A_72, %get3A_73] : memref<64x1xf32, #tpu.memory_space<vmem>>, vector<64x1xf32>
    %add3A_75 = vector.broadcast %get3A_74 : vector<64x1xf32> to vector<64x6400xf32>
    %add3A_76 = arith.addf %mul3A_71, %add3A_75 : vector<64x6400xf32>
    %swap3A = arith.constant 0 : index
    %swap3A_77 = arith.constant 0 : index
    %swap3A_78 = vector.load %arg12[%swap3A, %swap3A_77] : memref<64x6400xf32, #tpu.memory_space<vmem>>, vector<64x6400xf32>
    tpu.vector_store %arg12[%swap3A, %swap3A_77], %add3A_76 {strides = array<i32>} : memref<64x6400xf32, #tpu.memory_space<vmem>>, vector<64x6400xf32>,
    return
  }
  func.func @transform_0(%arg0: i32) -> (i32, i32) {
    %c0_i32 = arith.constant 0 : i32
    %c0_i32_0 = arith.constant 0 : i32
    return %c0_i32, %arg0 : i32, i32
  }
  func.func @transform_1(%arg0: i32) -> (i32, i32) {
    %c0_i32 = arith.constant 0 : i32
    %c0_i32_0 = arith.constant 0 : i32
    return %c0_i32, %arg0 : i32, i32
  }
  func.func @transform_2(%arg0: i32) -> (i32, i32) {
    %c0_i32 = arith.constant 0 : i32
    %c0_i32_0 = arith.constant 0 : i32
    return %arg0, %c0_i32 : i32, i32
  }
  func.func @transform_3(%arg0: i32) -> (i32, i32) {
    %c0_i32 = arith.constant 0 : i32
    %c0_i32_0 = arith.constant 0 : i32
    %c0_i32_1 = arith.constant 0 : i32
    return %c0_i32, %c0_i32_0 : i32, i32
  }
  func.func @transform_4(%arg0: i32) -> (i32, i32) {
    %c0_i32 = arith.constant 0 : i32
    %c0_i32_0 = arith.constant 0 : i32
    %c0_i32_1 = arith.constant 0 : i32
    return %c0_i32, %c0_i32_0 : i32, i32
  }
  func.func @transform_5(%arg0: i32) -> (i32, i32) {
    %c0_i32 = arith.constant 0 : i32
    %c0_i32_0 = arith.constant 0 : i32
    %c0_i32_1 = arith.constant 0 : i32
    return %c0_i32, %c0_i32_0 : i32, i32
  }
  func.func @transform_6(%arg0: i32) -> (i32, i32) {
    %c0_i32 = arith.constant 0 : i32
    %c0_i32_0 = arith.constant 0 : i32
    %c0_i32_1 = arith.constant 0 : i32
    return %c0_i32, %c0_i32_0 : i32, i32
  }
  func.func @transform_7(%arg0: i32) -> (i32, i32) {
    %c0_i32 = arith.constant 0 : i32
    %c0_i32_0 = arith.constant 0 : i32
    %c0_i32_1 = arith.constant 0 : i32
    return %c0_i32, %c0_i32_0 : i32, i32
  }
  func.func @transform_8(%arg0: i32) -> (i32, i32) {
    %c0_i32 = arith.constant 0 : i32
    %c0_i32_0 = arith.constant 0 : i32
    %c0_i32_1 = arith.constant 0 : i32
    return %c0_i32, %c0_i32_0 : i32, i32
  }
  func.func @transform_9(%arg0: i32) -> (i32, i32) {
    %c0_i32 = arith.constant 0 : i32
    %c0_i32_0 = arith.constant 0 : i32
    %c0_i32_1 = arith.constant 0 : i32
    return %c0_i32, %c0_i32_0 : i32, i32
  }
  func.func @transform_10(%arg0: i32) -> (i32, i32) {
    %c0_i32 = arith.constant 0 : i32
    %c0_i32_0 = arith.constant 0 : i32
    %c0_i32_1 = arith.constant 0 : i32
    return %c0_i32, %c0_i32_0 : i32, i32
  }
  func.func @transform_11(%arg0: i32) -> (i32, i32) {
    %c0_i32 = arith.constant 0 : i32
    %c0_i32_0 = arith.constant 0 : i32
    return %c0_i32, %arg0 : i32, i32
  }
}

</mosaic_0001>

<sc_bundles>
// kernel: kernel.5.cloned.1.call-start
scs
__scs_entry_jumppad:
0x0: {  	(pc) =	sbr.rel $0x88, $3  }
0x1: {  	(tag) =	ssettag $0x0;
	lr =	simm.s32 $0x1  }
0x2: {  	[smem:$0x3F97] =	sst lr;
	_ =	strace $0xD0000000  }
0x3: {  	_ = 	snop  }
0x4: {  	_ = 	snop  }
0x5: {  	_ = 	snop  }
0x6: {  	_ = 	snop  }
0x7: {  	_ = 	snop  }
__scs_overlays_trampoline_lowered:
0x8: {  	[smem:$0x3FA6] =	sst s0  }
0x9: {  	[smem:$0x3FA7] =	sst s1  }
0xa: {  	[smem:$0x3FA8] =	sst s2  }
0xb: {  	[smem:$0x3FA9] =	sst s3  }
0xc: {  	[smem:$0x3FAA] =	sst s4  }
0xd: {  	[smem:$0x3FAB] =	sst s5  }
0xe: {  	[smem:$0x3FAC] =	sst s6  }
0xf: {  	[smem:$0x3FAD] =	sst s7  }
0x10: {  	[smem:$0x3FAE] =	sst s8  }
0x11: {  	[smem:$0x3FAF] =	sst s9;
	s0 =	simm.s32 @!p0 $0x0  }
0x12: {  	s1 =	sld [smem:$0x3F95];
	s0 =	simm.s32 @p0 $0x1  }
0x13: {  	[smem:$0x3FB0] =	sst s0;
	s0 =	simm.s32 @!p1 $0x0  }
0x14: {  	s2 =	sld [smem:$0x3F94];
	s0 =	simm.s32 @p1 $0x1  }
0x15: {  	[smem:$0x3FB1] =	sst s0;
	s0 =	simm.s32 @!p2 $0x0  }
0x16: {  	s3 =	sld [smem:$0x3FDB];
	s0 =	simm.s32 @p2 $0x1  }
0x17: {  	s4 =	simm.s32 $0x1BF5;
	[smem:$0x3FB3] =	sst s0  }
0x18: {  	s0 =	sld [smem:$0x3F96];
	_ =	swait.ge [sflag:s4], $0x0  }
0x19: {  	s7 =	sld [smem:$0x3F97]  }
0x1a: {  	s8 =	sadd.s32 $0xFFFFE003, lr  }
0x1b: {  	s9 =	sadd.s32 $0xFFFFFEF7, lr;
	s5 =	simm.s32 $0xFFFFFFFF;
	p2 =	slt.u32 s8, $0xFFFFF086  }
0x1c: {  	p1 =	slt.u32 s9, $0xF7A;
	s5 =	simm.s32 @!p2 $0x0  }
0x1d: {  	s5 =	simm.s32 @p1 $0x1;
	p0 =	seq.s32 s7, s2  }
0x1e: {  	s7 =	smul.u32 @!p0 $0xF7A, s2;
	p2 =	seq.s32 @!p0 s5, $0x0  }
0x1f: {  	s9 =	smul.u32 $0xF7A, s1;
	s8 =	simm.s32 @!p0 $0x1BF5;
	p2 =	por !p2, p0  }
0x20: {  	[sflag:s8] =	ssyncset.s32 @!p0 $0xFFFFF086;
	s6 =	sadd.s32 @!p0 s3, s7;
	s7 =	simm.s32 @!p0 $0x108  }
0x21: {  	s3 =	sadd.s32 s3, s9;
	s6 =	sadd.s32 @!p0 $0x88, s6;
	s7 =	simm.s32 @p2 $0x1082  }
0x22: {  	[simem:s7], [sflag:s8] =	dma.local @!p0 [hbm:s6], $0xF7A  }
0x23: {  	s9 =	sor.u32 $0xD0000000, s2;
	s6 =	simm.s32 $0x108;
	_ =	swait.ge @!p0 [sflag:s8], $0x0  }
0x24: {  	s3 =	sadd.s32 $0x88, s3;
	s6 =	simm.s32 @!p1 $0x1082;
	[sflag:s4] =	ssyncset.s32 $0xFFFFF086  }
0x25: {  	[simem:s6], [sflag:s4] =	dma.local [hbm:s3], $0xF7A  }
0x26: {  	[smem:$0x3F97] =	sst s1;
	(tag) =	ssettag s2;
	_ =	strace s9  }
0x27: {  	s1 =	sld [smem:$0x3FA7]  }
0x28: {  	s2 =	sld [smem:$0x3FA8]  }
0x29: {  	s4 =	sld [smem:$0x3FAA]  }
0x2a: {  	p0 =	seq.s32 s5, $0x0;
	s5 =	sld [smem:$0x3FAB]  }
0x2b: {  	s6 =	sld [smem:$0x3FAC]  }
0x2c: {  	s7 =	sld [smem:$0x3FAD]  }
0x2d: {  	s3 =	simm.s32 $0x108;
	s8 =	sld [smem:$0x3FAE]  }
0x2e: {  	s3 =	simm.s32 @!p0 $0x1082;
	s9 =	sld [smem:$0x3FAF]  }
0x2f: {  	lr =	sadd.s32 s0, s3;
	s0 =	sld [smem:$0x3FA6]  }
0x30: {  	s3 =	sld [smem:$0x3FA9]  }
0x31: {  	[smem:$0x3FB2] =	sst s10  }
0x32: {  	s10 =	sld [smem:$0x3FB0];
	_ =	sdelay $0x3  }
0x33: {  	p0 =	seq.s32 s10, $0x1;
	s10 =	sld [smem:$0x3FB2];
	_ =	sdelay $0x3  }
0x34: {  	[smem:$0x3FB2] =	sst s10  }
0x35: {  	s10 =	sld [smem:$0x3FB1];
	_ =	sdelay $0x3  }
0x36: {  	p1 =	seq.s32 s10, $0x1;
	s10 =	sld [smem:$0x3FB2];
	_ =	sdelay $0x3  }
0x37: {  	[smem:$0x3FB2] =	sst s10  }
0x38: {  	s10 =	sld [smem:$0x3FB3]  }
0x39: {  	_ = 	snop;
	(pc) =	sbr.ind lr, $3  }
0x3a: {  	_ = 	snop  }
0x3b: {  	_ = 	snop  }
0x3c: {  	p2 =	seq.s32 s10, $0x1;
	s10 =	sld [smem:$0x3FB2]  }
0x3d: {  	_ =	shalt  }
0x3e: {  	_ =	shalt  }
0x3f: {  	_ =	shalt  }
0x40: {  	_ =	shalt  }
0x41: {  	_ =	shalt  }
0x42: {  	_ =	shalt  }
0x43: {  	_ =	shalt  }
0x44: {  	_ =	shalt  }
0x45: {  	_ =	shalt  }
0x46: {  	_ =	shalt  }
0x47: {  	_ =	shalt  }
0x48: {  	_ =	shalt  }
0x49: {  	_ =	shalt  }
0x4a: {  	_ =	shalt  }
0x4b: {  	_ =	shalt  }
0x4c: {  	_ =	shalt  }
0x4d: {  	_ =	shalt  }
0x4e: {  	_ =	shalt  }
0x4f: {  	_ =	shalt  }
0x50: {  	_ =	shalt  }
0x51: {  	_ =	shalt  }
0x52: {  	_ =	shalt  }
0x53: {  	_ =	shalt  }
0x54: {  	_ =	shalt  }
0x55: {  	_ =	shalt  }
0x56: {  	_ =	shalt  }
0x57: {  	_ =	shalt  }
0x58: {  	_ =	shalt  }
0x59: {  	_ =	shalt  }
0x5a: {  	_ =	shalt  }
0x5b: {  	_ =	shalt  }
0x5c: {  	_ =	shalt  }
0x5d: {  	_ =	shalt  }
0x5e: {  	_ =	shalt  }
0x5f: {  	_ =	shalt  }
0x60: {  	_ =	shalt  }
0x61: {  	_ =	shalt  }
0x62: {  	_ =	shalt  }
0x63: {  	_ =	shalt  }
0x64: {  	_ =	shalt  }
0x65: {  	_ =	shalt  }
0x66: {  	_ =	shalt  }
0x67: {  	_ =	shalt  }
0x68: {  	_ =	shalt  }
0x69: {  	_ =	shalt  }
0x6a: {  	_ =	shalt  }
0x6b: {  	_ =	shalt  }
0x6c: {  	_ =	shalt  }
0x6d: {  	_ =	shalt  }
0x6e: {  	_ =	shalt  }
0x6f: {  	_ =	shalt  }
0x70: {  	_ =	shalt  }
0x71: {  	_ =	shalt  }
0x72: {  	_ =	shalt  }
0x73: {  	_ =	shalt  }
0x74: {  	_ =	shalt  }
0x75: {  	_ =	shalt  }
0x76: {  	_ =	shalt  }
0x77: {  	_ =	shalt  }
0x78: {  	_ =	shalt  }
0x79: {  	_ =	shalt  }
0x7a: {  	_ =	shalt  }
0x7b: {  	_ =	shalt  }
0x7c: {  	_ =	shalt  }
0x7d: {  	_ =	shalt  }
0x7e: {  	_ =	shalt  }
0x7f: {  	_ =	shalt  }
0x80: {  	_ =	shalt  }
0x81: {  	_ =	shalt  }
0x82: {  	_ =	shalt  }
0x83: {  	_ =	shalt  }
0x84: {  	_ =	shalt  }
0x85: {  	_ =	shalt  }
0x86: {  	_ =	shalt  }
0x87: {  	_ =	shalt  }
.Lfunc_end0:
.L_simem_size_0:
called_computation_lowered:
.L_overlay_start_0:
0x88: {  	s2 =	sld [smem:$0x3FD9]  }
0x89: {  	s3 =	sld [smem:$0x3FFE];
	_ =	sdelay $0x1  }
0x8a: {  	s1 =	srdreg.scid  }
0x8b: {  	s0 =	sand.u32 $0x1, s1  }
0x8c: {  	s17 =	sshll.u32 s0, $0xA;
	s2 =	sadd.s32 s3, s2  }
0x8d: {  	s2 =	sadd.s32 s2, s17  }
0x8e: {  	[smem:$0x3FBE] =	sst s2  }
0x8f: {  	_ = 	snop  }
0x90: {  	s2 =	sld [smem:$0x3FD0];
	(tm) =	ssettm $0x1  }
0x91: {  	s18 =	sld [smem:$0x3FFB];
	_ =	sdelay $0x3  }
0x92: {  	_ =	strace s18  }
0x93: {  	s3 =	sld [smem:$0x3FFC];
	_ =	sdelay $0x3  }
0x94: {  	_ =	strace s3  }
0x95: {  	s3 =	sld [smem:$0x3FFD];
	_ =	sdelay $0x3  }
0x96: {  	_ =	strace s3  }
0x97: {  	_ =	strace $0x8FFFFFFF  }
0x98: {  	s19 =	sld [smem:$0x3FDB];
	_ =	sdelay $0x1  }
0x99: {  	s4 =	simm.s32 $_scs_section_size  }
0x9a: {  	s5 =	simm.s32 $_size__tile_overlayer_lowered;
	s6 =	simm.s32 $_tile_overlayer_lowered  }
0x9b: {  	s22 =	simm.s32 $0x1BFF;
	s21 =	sshll.u32 s6, $0x1;
	s3 =	sadd.s32 s4, s19  }
0x9c: {  	s7 =	simm.s32 $0x0;
	s20 =	sshll.u32 s5, $0x1;
	s5 =	sadd.s32 s21, s3  }
0x9d: {  	[timem:s7], [sflag:s22] =	dma.local [hbm:s5], s20  }
0x9e: {  	_ =	swait.ge [sflag:s22], s20  }
0x9f: {  	s4 =	ssub.s32 $0x0, s20;
	[sflag:s22] =	ssyncset.done $0x0  }
0xa0: {  	[sflag:s22] =	ssyncadd.s32 s4;
	_ =	sdelay $0x1  }
0xa1: {  	s23 =	simm.s32 $0x1B8B  }
0xa2: {  	_ =	swait.ge [sflag:s23], $0x1  }
0xa3: {  	[sflag:s23] =	ssyncset.done $0x0  }
0xa4: {  	s25 =	simm.s32 $0x1B8E;
	s24 =	sld [smem:$0x3FFE];
	[sflag:s23] =	ssyncadd.s32 $0xFFFFFFFF  }
0xa5: {  	s26 =	simm.s32 $execute0_lowered;
	[smem:$0x3FD2] =	sst s25  }
0xa6: {  	s5 =	sshll.u32 s26, $0x1;
	_ =	strace $0x80000046;
	[dreg:$0x1] =	wrdreg $0xFFFFFFFF  }
0xa7: {  	s28 =	simm.s32 $_size_execute0_lowered;
	s3 =	sadd.s32 s3, s5;
	[dreg:$0x0] =	wrdreg $0x0  }
0xa8: {  	s5 =	sshll.u32 s28, $0x1;
	[dreg:$0x2] =	wrdreg s3  }
0xa9: {  	[dreg:$0x3] =	wrdreg s5  }
0xaa: {  	[dreg:$0x4] =	wrdreg $0xC0  }
0xab: {  	_ =	task [dreg:s7], $0x5FFFF  }
0xac: {  	[dreg:$0x1] =	wrdreg $0xFFFFFFFF  }
0xad: {  	[dreg:$0x0] =	wrdreg $0x60  }
0xae: {  	[dreg:$0x2] =	wrdreg s24  }
0xaf: {  	[dreg:$0x3] =	wrdreg s2  }
0xb0: {  	[dreg:$0x4] =	wrdreg $0x9  }
0xb1: {  	_ =	task.clear_ibuf [dreg:s7], $0x5FFFF;
	_ =	strace $0x90000046  }
0xb2: {  	s29 =	simm.s32 $0x9;
	_ =	strace $0x80000048  }
0xb3: {  	_ =	swait.ge [sflag:s29], $0x1  }
0xb4: {  	[sflag:s29] =	ssyncadd.s32 $0xFFFFFFFF  }
0xb5: {  	_ =	strace $0x90000048  }
0xb6: {  	_ =	sfence  }
0xb7: {  	s30 =	sld [smem:$0x0];
	_ =	sdelay $0x2  }
0xb8: {  	s31 =	sshll.u32 s1, $0xD;
	s1 =	sshrl.u32 s1, $0x2  }
0xb9: {  	s3 =	sand.u32 $0x4000, s31;
	s1 =	sadd.s32 s1, s30  }
0xba: {  	s0 =	sor.u32 s3, s0;
	s1 =	sshll.u32 s1, $0x11  }
0xbb: {  	s0 =	sor.u32 s1, s0  }
0xbc: {  	s0 =	sadd.s32 $0x8F2B, s0  }
0xbd: {  	[sflag:s0] =	ssyncadd.remote.s32 $0x1  }
0xbe: {  	_ =	sfence.sel $0xFFFF  }
0xbf: {  	[dreg:$0x0] =	wrdreg $0xFFFFFFFF;
	(pc) =	sbr.abs _section_cstart, $3  }
0xc0: {  	[dreg:$0x1] =	wrdreg $0xFFFFFFFF  }
0xc1: {  	_ =	task.clear_ibuf [dreg:s7], $0x2FFFF;
	_ =	strace $0x9FFFFFFF  }
0xc2: {  	(tm) =	ssettm $0x7FFFFFFF  }
0xc3: {  	_ =	shalt  }
tec
execute0_lowered:
.L_overlay_start_1:
0x0: {  	(tag) =	ssettag $0x1  }
0x1: {  	s0 =	rddreg [dreg:$0x0]  }
0x2: {  	s2 =	rddreg [dreg:$0x1]  }
0x3: {  	s1 =	srdreg.scid;
	s15 =	stileid.u32;
	s3 =	simm.s32 $0x0  }
0x4: {  	s8 =	simm.s32 $0xC4;
	s16 =	simm.s32 $0x6200;
	s17 =	simm.s32 $0x80  }
0x5: {  	s18 =	simm.s32 $0xC400;
	s20 =	simm.s32 $0x10400;
	s24 =	simm.s32 $0x14400  }
0x6: {  	s28 =	simm.s32 $0x1;
	s29 =	simm.s32 $0x40;
	s30 =	simm.s32 $0x2  }
0x7: {  	s31 =	simm.s32 $0x3;
	s1 =	sand.u32 $0x1, s1;
	s4 =	sshll.u32 s15, $0x1  }
0x8: {  	[smem:$0x7FF] =	sst s3;
	s9 =	sadd.s32 $0x2000, s0;
	p0 =	slt.u32 s15, $0x5  }
0x9: {  	s13 =	sadd.s32 $0x158008, s0;
	s5 =	sor.u32 s1, s4;
	_ =	strace $0x80000047  }
0xa: {  	s4 =	sadd.s32 $0xF6400, s0;
	s1 =	ssub.s32 $0x2, s1;
	s6 =	smul.u32 $0xC3, s5  }
0xb: {  	s8 =	simm.s32 @!p0 $0xC3;
	p0 =	sgt.u32 s15, $0x4;
	s5 =	smin.u32 s5, $0xA  }
0xc: {  	s15 =	simm.s32 $0x4;
	s7 =	sshrl.u32 s1, $0x1;
	s5 =	sadd.s32 s5, s6  }
.Ltmp0:
0xd: {  	s1 =	ssub.s32 s1, s7;
	s7 =	sshll.u32 s5, $0x7;
	(pc) =	sbr.rel .LBB2_1-.Ltmp0, $4  }
0xe: {  	s6 =	sadd.s32 $0x158000, s0;
	s11 =	sshll.u32 s5, $0x4;
	s10 =	sshrl.u32 s7, $0x3  }
0xf: {  	s14 =	smax.u32 s1, $0x1;
	s12 =	sadd.s32 s9, s10;
	s9 =	sadd.s32 s9, s11  }
0x10: {  	s0 =	simm.s32 $0x0;
	[dreg:$0x3] =	wrdreg s9;
	s26 =	sadd.s32 $0x186A0, s12  }
0x11: {  	s11 =	sadd.s32 $0xC30, s12;
	s12 =	sadd.s32 $0x192D0, s12;
	[dreg:$0x4] =	wrdreg s26  }
.LBB2_26:
0x12: {  	s0 =	sadd.s32 $0x1, s0  }
0x13: {  	p1 =	sne.s32 s0, s14  }
.Ltmp1:
0x14: {  	_ = 	snop;
	(pc) =	sbr.rel @!p1 .LBB2_27-.Ltmp1, $1  }
0x15: {  	_ =	sdelay $0x3  }
.LBB2_1:
0x16: {  	s1 =	rddreg [dreg:$0x3]  }
0x17: {  	[tilespmem:s3], [sflag:$0x4] =	stream.linear.gather [hbm4b:s1+s3], $0x6180, $0x38;
	[tilespmem:$0x18400] =	vst v63  }
0x18: {  	_ =	swait.ge [sflag:s15], $0x6180  }
0x19: {  	[sflag:s15] =	ssyncset.done $0x0  }
0x1a: {  	s19 =	rddreg [dreg:$0x4];
	[sflag:s15] =	ssyncadd.s32 $0xFFFF9E80  }
0x1b: {  	[tilespmem:s16], [sflag:$0x4] =	stream.linear.gather [hbm4b:s19+s3], $0x6180, $0x38;
	[tilespmem:$0x18400] =	vst v63  }
0x1c: {  	_ =	swait.ge [sflag:s15], $0x6180  }
0x1d: {  	[sflag:s15] =	ssyncset.done $0x0  }
0x1e: {  	s1 =	simm.s32 @!p0 $0x0;
	s19 =	simm.s32 @!p0 $0x6180;
	[sflag:s15] =	ssyncadd.s32 $0xFFFF9E80  }
0x1f: {  	[tilespmem:s19], [sflag:$0x4] =	stream.linear.gather @!p0 [hbm4b:s11+s1], $0x80, $0x38;
	[tilespmem:$0x18400] =	vst v63  }
0x20: {  	s19 =	simm.s32 @!p0 $0x4  }
0x21: {  	_ =	swait.ge @!p0 [sflag:s19], $0x80  }
0x22: {  	[sflag:s19] =	ssyncset.done @!p0 $0x0  }
0x23: {  	s21 =	simm.s32 @!p0 $0xC380;
	[sflag:s19] =	ssyncadd.s32 @!p0 $0xFFFFFF80  }
0x24: {  	[tilespmem:s21], [sflag:$0x4] =	stream.linear.gather @!p0 [hbm4b:s12+s1], $0x80, $0x38;
	[tilespmem:$0x18400] =	vst v63  }
0x25: {  	_ =	swait.ge @!p0 [sflag:s19], $0x80  }
0x26: {  	[sflag:s19] =	ssyncset.done @!p0 $0x0  }
0x27: {  	[sflag:s19] =	ssyncadd.s32 @!p0 $0xFFFFFF80  }
0x28: {  	[tilespmem:s18], [sflag:$0x1] =	stream.indirect.gather [hbm4b:s4+s17], $0x40, s3, s17, $0xb8;
	[tilespmem:$0x18400] =	vst v63  }
0x29: {  	s21 =	simm.s32 $0xE400  }
0x2a: {  	[tilespmem:s21], [sflag:$0x1] =	stream.indirect.gather [hbm4b:s2+s17], $0x40, s16, s17, $0xb8;
	[tilespmem:$0x18400] =	vst v63  }
0x2b: {  	_ = 	snop  }
0x2c: {  	[tilespmem:s20], [sflag:$0x2] =	stream.indirect.gather [hbm4b:s4+s17], $0x40, s17, s17, $0xb8;
	[tilespmem:$0x18400] =	vst v63  }
0x2d: {  	s22 =	simm.s32 $0x6280;
	s9 =	simm.s32 $0x12400  }
0x2e: {  	[tilespmem:s9], [sflag:$0x2] =	stream.indirect.gather [hbm4b:s2+s17], $0x40, s22, s17, $0xb8;
	[tilespmem:$0x18400] =	vst v63  }
.Ltmp2:
0x2f: {  	_ = 	snop;
	(pc) =	sbr.rel .LBB2_2-.Ltmp2, $4  }
0x30: {  	s23 =	simm.s32 $0x100;
	s25 =	simm.s32 $0x6300;
	s1 =	simm.s32 @!p0 $0x42  }
0x31: {  	[tilespmem:s24], [sflag:$0x3] =	stream.indirect.gather [hbm4b:s4+s17], $0x40, s23, s17, $0xb8;
	[tilespmem:$0x18400] =	vst v63  }
0x32: {  	s26 =	simm.s32 $0x16400;
	s1 =	simm.s32 @p0 $0x41;
	s19 =	simm.s32 $0x0  }
0x33: {  	[tilespmem:s26], [sflag:$0x3] =	stream.indirect.gather [hbm4b:s2+s17], $0x40, s25, s17, $0xb8;
	[tilespmem:$0x18400] =	vst v63  }
.LBB2_23:
0x34: {  	s9 =	sshll.u32 s22, $0x4  }
0x35: {  	s9 =	sand.u32 $0x1FFFF800, s9  }
0x36: {  	s22 =	sadd.s32 s9, s13  }
.LBB2_24:
0x37: {  	[hbm4b:s22+s29] =	stream.strided.scatter [tilespmem:s24], [sflag:$0x4], $0x2000, s17, s29, $0x38;
	[tilespmem:$0x18400] =	vst v63  }
0x38: {  	_ =	swait.ge [sflag:s15], $0x2000  }
0x39: {  	[sflag:s15] =	ssyncset.done $0x0  }
0x3a: {  	[sflag:s15] =	ssyncadd.s32 $0xFFFFE000  }
.LBB2_25:
0x3b: {  	s9 =	sadd.s32 $0x5, s21  }
0x3c: {  	p1 =	sge.u32 s9, s8  }
0x3d: {  	s9 =	sshll.u32 @!p1 s9, $0x7;
	s10 =	simm.s32 @!p1 $0x80;
	s21 =	simm.s32 @!p1 $0x14400  }
0x3e: {  	[tilespmem:s21], [sflag:$0x3] =	stream.indirect.gather @!p1 [hbm4b:s4+s10], $0x40, s9, s10, $0xb8;
	[tilespmem:$0x18400] =	vst v63  }
0x3f: {  	s19 =	sadd.s32 $0x1, s19;
	s9 =	sadd.s32 @!p1 $0x6200, s9;
	s21 =	simm.s32 @!p1 $0x16400  }
0x40: {  	[tilespmem:s21], [sflag:$0x3] =	stream.indirect.gather @!p1 [hbm4b:s2+s10], $0x40, s9, s10, $0xb8;
	[tilespmem:$0x18400] =	vst v63  }
0x41: {  	p1 =	sne.s32 s19, s1  }
.Ltmp3:
0x42: {  	_ = 	snop;
	(pc) =	sbr.rel @!p1 .LBB2_26-.Ltmp3, $1  }
0x43: {  	_ =	sdelay $0x3  }
.LBB2_2:
0x44: {  	_ =	swait.ge [sflag:s28], $0x2000  }
0x45: {  	[sflag:s28] =	ssyncset.done $0x0  }
0x46: {  	[sflag:s28] =	ssyncadd.s32 $0xFFFFE000  }
0x47: {  	_ =	swait.ge [sflag:s28], $0x2000  }
0x48: {  	[sflag:s28] =	ssyncset.done $0x0  }
0x49: {  	s21 =	simm.s32 $0x0;
	[sflag:s28] =	ssyncadd.s32 $0xFFFFE000  }
0x4a: {  	v0 =	vld [tilespmem:s21+$0xE470]  }
0x4b: {  	v1 =	vld [tilespmem:s21+$0xE400]  }
0x4c: {  	v2 =	vld [tilespmem:s21+$0xE410]  }
0x4d: {  	v3 =	vld [tilespmem:s21+$0xE420]  }
0x4e: {  	v4 =	vld [tilespmem:s21+$0xE430]  }
0x4f: {  	v5 =	vld [tilespmem:s21+$0xE440]  }
0x50: {  	v6 =	vld [tilespmem:s21+$0xE450]  }
0x51: {  	[tilespmem:s21+$0xC470] =	vst.add.f32.msk $0xffff, v0  }
0x52: {  	v0 =	vld [tilespmem:s21+$0xE460]  }
0x53: {  	[tilespmem:s21+$0xC400] =	vst.add.f32.msk $0xffff, v1  }
0x54: {  	[tilespmem:s21+$0xC410] =	vst.add.f32.msk $0xffff, v2  }
0x55: {  	[tilespmem:s21+$0xC420] =	vst.add.f32.msk $0xffff, v3  }
0x56: {  	[tilespmem:s21+$0xC430] =	vst.add.f32.msk $0xffff, v4  }
0x57: {  	[tilespmem:s21+$0xC440] =	vst.add.f32.msk $0xffff, v5  }
0x58: {  	s22 =	simm.s32 $0x0;
	s23 =	simm.s32 $0x200;
	[tilespmem:s21+$0xC450] =	vst.add.f32.msk $0xffff, v6  }
.LBB2_3:
0x59: {  	s22 =	sadd.s32 $0x2, s22;
	[tilespmem:s21+$0xC460] =	vst.add.f32.msk $0xffff, v0;
	s21 =	sshra.s32 s23, $0x2  }
0x5a: {  	v0 =	vld [tilespmem:s21+$0xE470];
	p1 =	slt.u32 s22, $0x7E  }
0x5b: {  	v1 =	vld [tilespmem:s21+$0xE400]  }
0x5c: {  	v2 =	vld [tilespmem:s21+$0xE410]  }
0x5d: {  	v3 =	vld [tilespmem:s21+$0xE420]  }
0x5e: {  	v4 =	vld [tilespmem:s21+$0xE430]  }
0x5f: {  	[tilespmem:s21+$0xC470] =	vst.add.f32.msk $0xffff, v0  }
0x60: {  	v5 =	vld [tilespmem:s21+$0xE440]  }
0x61: {  	v6 =	vld [tilespmem:s21+$0xE450]  }
0x62: {  	v0 =	vld [tilespmem:s21+$0xE460]  }
0x63: {  	[tilespmem:s21+$0xC400] =	vst.add.f32.msk $0xffff, v1  }
.Ltmp4:
0x64: {  	[tilespmem:s21+$0xC410] =	vst.add.f32.msk $0xffff, v2;
	(pc) =	sbr.rel @p1 .LBB2_3-.Ltmp4, $4  }
0x65: {  	[tilespmem:s21+$0xC420] =	vst.add.f32.msk $0xffff, v3  }
0x66: {  	[tilespmem:s21+$0xC430] =	vst.add.f32.msk $0xffff, v4  }
0x67: {  	[tilespmem:s21+$0xC440] =	vst.add.f32.msk $0xffff, v5  }
0x68: {  	s23 =	sadd.s32 $0x200, s23;
	[tilespmem:s21+$0xC450] =	vst.add.f32.msk $0xffff, v6  }
0x69: {  	s22 =	smul.u32 $0x180, s19;
	_ =	sdelay $0x1  }
0x6a: {  	s22 =	sadd.s32 s7, s22  }
0x6b: {  	s23 =	smulhi.u32 $0x51EB851F, s22;
	_ =	sdelay $0x1  }
0x6c: {  	s23 =	sshrl.u32 s23, $0xB  }
0x6d: {  	s25 =	smul.u32 $0xFFFFE700, s23;
	_ =	sdelay $0x1  }
0x6e: {  	s25 =	sadd.s32 s22, s25  }
0x6f: {  	s22 =	smulhi.u32 $0x51EB851F, s25;
	s26 =	sshra.s32 s25, $0x1F  }
0x70: {  	s26 =	smul.u32 $0x51EB851F, s26;
	_ =	sdelay $0x1  }
0x71: {  	s22 =	sadd.s32 s26, s22  }
0x72: {  	s26 =	sshrl.u32 s22, $0x1F;
	s22 =	sshra.s32 s22, $0xA  }
0x73: {  	s22 =	sadd.s32 s26, s22  }
0x74: {  	s26 =	smul.u32 $0xFFFFF380, s22  }
0x75: {  	s9 =	ssub.s32 $0x0, s25  }
0x76: {  	p2 =	slt.s32 s25, $0x1;
	p1 =	sne.s32 s26, s9  }
0x77: {  	p1 =	por !p2, !p1  }
0x78: {  	s9 =	simm.s32 $0x1;
	p1 =	por !p1, !p1  }
0x79: {  	s9 =	simm.s32 @!p1 $0x0  }
0x7a: {  	s22 =	ssub.s32 s22, s9  }
0x7b: {  	p1 =	seq.s32 s22, $0x1  }
.Ltmp5:
0x7c: {  	_ = 	snop;
	(pc) =	sbr.rel @p1 .LBB2_7-.Ltmp5, $3  }
0x7d: {  	s9 =	ssub.s32 s23, s22  }
0x7e: {  	s9 =	smul.u32 $0xC80, s9;
	_ =	sdelay $0x1  }
0x7f: {  	[tilespmem:s21+$0xC460] =	vst.add.f32.msk $0xffff, v0;
	s21 =	sadd.s32 s25, s9  }
0x80: {  	p1 =	sne.s32 s22, $0x0  }
.Ltmp6:
0x81: {  	_ = 	snop;
	(pc) =	sbr.rel @p1 .LBB2_9-.Ltmp6, $1  }
0x82: {  	_ =	sdelay $0x3  }
.Ltmp7:
0x83: {  	(pc) =	sbr.rel .LBB2_8-.Ltmp7, $4  }
0x84: {  	_ = 	snop  }
0x85: {  	s9 =	sshll.u32 s21, $0x4  }
0x86: {  	s9 =	sand.u32 $0x1FFFF800, s9  }
0x87: {  	s21 =	sadd.s32 s6, s9  }
.LBB2_7:
0x88: {  	s9 =	sshll.u32 s21, $0x4  }
0x89: {  	s9 =	sand.u32 $0x1FFFF800, s9  }
0x8a: {  	s21 =	sadd.s32 s9, s13  }
.LBB2_8:
0x8b: {  	[hbm4b:s21+s29] =	stream.strided.scatter [tilespmem:s18], [sflag:$0x4], $0x2000, s17, s29, $0x38;
	[tilespmem:$0x18400] =	vst v63  }
0x8c: {  	_ =	swait.ge [sflag:s15], $0x2000  }
0x8d: {  	[sflag:s15] =	ssyncset.done $0x0  }
0x8e: {  	[sflag:s15] =	ssyncadd.s32 $0xFFFFE000  }
.LBB2_9:
0x8f: {  	s21 =	smul.u32 $0x3, s19;
	_ =	sdelay $0x1  }
0x90: {  	s9 =	sadd.s32 $0x3, s21  }
0x91: {  	p1 =	sge.u32 s9, s8  }
0x92: {  	s9 =	sshll.u32 @!p1 s9, $0x7;
	s22 =	simm.s32 @!p1 $0x80;
	s23 =	simm.s32 @!p1 $0xC400  }
0x93: {  	[tilespmem:s23], [sflag:$0x1] =	stream.indirect.gather @!p1 [hbm4b:s4+s22], $0x40, s9, s22, $0xb8;
	[tilespmem:$0x18400] =	vst v63  }
0x94: {  	s9 =	sadd.s32 @!p1 $0x6200, s9;
	s23 =	simm.s32 @!p1 $0xE400  }
0x95: {  	[tilespmem:s23], [sflag:$0x1] =	stream.indirect.gather @!p1 [hbm4b:s2+s22], $0x40, s9, s22, $0xb8;
	[tilespmem:$0x18400] =	vst v63  }
0x96: {  	s23 =	sadd.s32 $0x1, s21  }
0x97: {  	p1 =	sge.u32 s23, s8  }
.Ltmp8:
0x98: {  	_ = 	snop;
	(pc) =	sbr.rel @p1 .LBB2_17-.Ltmp8, $1  }
0x99: {  	_ =	sdelay $0x3  }
0x9a: {  	_ =	swait.ge [sflag:s30], $0x2000  }
0x9b: {  	[sflag:s30] =	ssyncset.done $0x0  }
0x9c: {  	[sflag:s30] =	ssyncadd.s32 $0xFFFFE000  }
0x9d: {  	_ =	swait.ge [sflag:s30], $0x2000  }
0x9e: {  	[sflag:s30] =	ssyncset.done $0x0  }
0x9f: {  	s22 =	simm.s32 $0x0;
	[sflag:s30] =	ssyncadd.s32 $0xFFFFE000  }
0xa0: {  	v0 =	vld [tilespmem:s22+$0x12470]  }
0xa1: {  	v1 =	vld [tilespmem:s22+$0x12400]  }
0xa2: {  	v2 =	vld [tilespmem:s22+$0x12410]  }
0xa3: {  	v3 =	vld [tilespmem:s22+$0x12420]  }
0xa4: {  	v4 =	vld [tilespmem:s22+$0x12430]  }
0xa5: {  	v5 =	vld [tilespmem:s22+$0x12440]  }
0xa6: {  	v6 =	vld [tilespmem:s22+$0x12450]  }
0xa7: {  	[tilespmem:s22+$0x10470] =	vst.add.f32.msk $0xffff, v0  }
0xa8: {  	v0 =	vld [tilespmem:s22+$0x12460]  }
0xa9: {  	[tilespmem:s22+$0x10400] =	vst.add.f32.msk $0xffff, v1  }
0xaa: {  	[tilespmem:s22+$0x10410] =	vst.add.f32.msk $0xffff, v2  }
0xab: {  	[tilespmem:s22+$0x10420] =	vst.add.f32.msk $0xffff, v3  }
0xac: {  	[tilespmem:s22+$0x10430] =	vst.add.f32.msk $0xffff, v4  }
0xad: {  	[tilespmem:s22+$0x10440] =	vst.add.f32.msk $0xffff, v5  }
0xae: {  	s25 =	simm.s32 $0x0;
	s26 =	simm.s32 $0x200;
	[tilespmem:s22+$0x10450] =	vst.add.f32.msk $0xffff, v6  }
.LBB2_11:
0xaf: {  	s25 =	sadd.s32 $0x2, s25;
	[tilespmem:s22+$0x10460] =	vst.add.f32.msk $0xffff, v0;
	s22 =	sshra.s32 s26, $0x2  }
0xb0: {  	v0 =	vld [tilespmem:s22+$0x12470];
	p1 =	slt.u32 s25, $0x7E  }
0xb1: {  	v1 =	vld [tilespmem:s22+$0x12400]  }
0xb2: {  	v2 =	vld [tilespmem:s22+$0x12410]  }
0xb3: {  	v3 =	vld [tilespmem:s22+$0x12420]  }
0xb4: {  	v4 =	vld [tilespmem:s22+$0x12430]  }
0xb5: {  	[tilespmem:s22+$0x10470] =	vst.add.f32.msk $0xffff, v0  }
0xb6: {  	v5 =	vld [tilespmem:s22+$0x12440]  }
0xb7: {  	v6 =	vld [tilespmem:s22+$0x12450]  }
0xb8: {  	v0 =	vld [tilespmem:s22+$0x12460]  }
0xb9: {  	[tilespmem:s22+$0x10400] =	vst.add.f32.msk $0xffff, v1  }
.Ltmp9:
0xba: {  	[tilespmem:s22+$0x10410] =	vst.add.f32.msk $0xffff, v2;
	(pc) =	sbr.rel @p1 .LBB2_11-.Ltmp9, $4  }
0xbb: {  	[tilespmem:s22+$0x10420] =	vst.add.f32.msk $0xffff, v3  }
0xbc: {  	[tilespmem:s22+$0x10430] =	vst.add.f32.msk $0xffff, v4  }
0xbd: {  	[tilespmem:s22+$0x10440] =	vst.add.f32.msk $0xffff, v5  }
0xbe: {  	s26 =	sadd.s32 $0x200, s26;
	[tilespmem:s22+$0x10450] =	vst.add.f32.msk $0xffff, v6  }
0xbf: {  	s9 =	sadd.s32 s5, s23  }
0xc0: {  	s23 =	smulhi.u32 $0x51EB851F, s9;
	_ =	sdelay $0x1  }
0xc1: {  	s25 =	sshrl.u32 s23, $0x4  }
0xc2: {  	s23 =	smul.u32 $0xFFFFE700, s25  }
0xc3: {  	s9 =	sshll.u32 s9, $0x7  }
0xc4: {  	s9 =	sadd.s32 s9, s23  }
0xc5: {  	s23 =	smulhi.u32 $0x51EB851F, s9;
	s26 =	sshra.s32 s9, $0x1F  }
0xc6: {  	s26 =	smul.u32 $0x51EB851F, s26;
	_ =	sdelay $0x1  }
0xc7: {  	s23 =	sadd.s32 s26, s23  }
0xc8: {  	s26 =	sshrl.u32 s23, $0x1F;
	s23 =	sshra.s32 s23, $0xA  }
0xc9: {  	s23 =	sadd.s32 s26, s23  }
0xca: {  	s26 =	smul.u32 $0xFFFFF380, s23  }
0xcb: {  	s10 =	ssub.s32 $0x0, s9  }
0xcc: {  	p2 =	slt.s32 s9, $0x1;
	p1 =	sne.s32 s26, s10  }
0xcd: {  	p1 =	por !p2, !p1  }
0xce: {  	s10 =	simm.s32 $0x1;
	p1 =	por !p1, !p1  }
0xcf: {  	s10 =	simm.s32 @!p1 $0x0  }
0xd0: {  	s23 =	ssub.s32 s23, s10  }
0xd1: {  	p1 =	seq.s32 s23, $0x1  }
.Ltmp10:
0xd2: {  	_ = 	snop;
	(pc) =	sbr.rel @p1 .LBB2_15-.Ltmp10, $3  }
0xd3: {  	s10 =	ssub.s32 s25, s23  }
0xd4: {  	s10 =	smul.u32 $0xC80, s10;
	_ =	sdelay $0x1  }
0xd5: {  	[tilespmem:s22+$0x10460] =	vst.add.f32.msk $0xffff, v0;
	s22 =	sadd.s32 s9, s10  }
0xd6: {  	p1 =	sne.s32 s23, $0x0  }
.Ltmp11:
0xd7: {  	_ = 	snop;
	(pc) =	sbr.rel @p1 .LBB2_17-.Ltmp11, $1  }
0xd8: {  	_ =	sdelay $0x3  }
.Ltmp12:
0xd9: {  	(pc) =	sbr.rel .LBB2_16-.Ltmp12, $4  }
0xda: {  	_ = 	snop  }
0xdb: {  	s9 =	sshll.u32 s22, $0x4  }
0xdc: {  	s9 =	sand.u32 $0x1FFFF800, s9  }
0xdd: {  	s22 =	sadd.s32 s6, s9  }
.LBB2_15:
0xde: {  	s9 =	sshll.u32 s22, $0x4  }
0xdf: {  	s9 =	sand.u32 $0x1FFFF800, s9  }
0xe0: {  	s22 =	sadd.s32 s9, s13  }
.LBB2_16:
0xe1: {  	[hbm4b:s22+s29] =	stream.strided.scatter [tilespmem:s20], [sflag:$0x4], $0x2000, s17, s29, $0x38;
	[tilespmem:$0x18400] =	vst v63  }
0xe2: {  	_ =	swait.ge [sflag:s15], $0x2000  }
0xe3: {  	[sflag:s15] =	ssyncset.done $0x0  }
0xe4: {  	[sflag:s15] =	ssyncadd.s32 $0xFFFFE000  }
.LBB2_17:
0xe5: {  	s9 =	sadd.s32 $0x4, s21  }
0xe6: {  	p1 =	sge.u32 s9, s8  }
0xe7: {  	s9 =	sshll.u32 @!p1 s9, $0x7;
	s10 =	simm.s32 @!p1 $0x80;
	s22 =	simm.s32 @!p1 $0x10400  }
0xe8: {  	[tilespmem:s22], [sflag:$0x2] =	stream.indirect.gather @!p1 [hbm4b:s4+s10], $0x40, s9, s10, $0xb8;
	[tilespmem:$0x18400] =	vst v63  }
0xe9: {  	s23 =	sadd.s32 $0x2, s21;
	s9 =	sadd.s32 @!p1 $0x6200, s9;
	s22 =	simm.s32 @!p1 $0x12400  }
0xea: {  	[tilespmem:s22], [sflag:$0x2] =	stream.indirect.gather @!p1 [hbm4b:s2+s10], $0x40, s9, s10, $0xb8;
	[tilespmem:$0x18400] =	vst v63  }
0xeb: {  	p1 =	sge.u32 s23, s8  }
.Ltmp13:
0xec: {  	_ = 	snop;
	(pc) =	sbr.rel @p1 .LBB2_25-.Ltmp13, $1  }
0xed: {  	_ =	sdelay $0x3  }
0xee: {  	_ =	swait.ge [sflag:s31], $0x2000  }
0xef: {  	[sflag:s31] =	ssyncset.done $0x0  }
0xf0: {  	[sflag:s31] =	ssyncadd.s32 $0xFFFFE000  }
0xf1: {  	_ =	swait.ge [sflag:s31], $0x2000  }
0xf2: {  	[sflag:s31] =	ssyncset.done $0x0  }
0xf3: {  	s22 =	simm.s32 $0x0;
	[sflag:s31] =	ssyncadd.s32 $0xFFFFE000  }
0xf4: {  	v0 =	vld [tilespmem:s22+$0x16470]  }
0xf5: {  	v1 =	vld [tilespmem:s22+$0x16400]  }
0xf6: {  	v2 =	vld [tilespmem:s22+$0x16410]  }
0xf7: {  	v3 =	vld [tilespmem:s22+$0x16420]  }
0xf8: {  	v4 =	vld [tilespmem:s22+$0x16430]  }
0xf9: {  	v5 =	vld [tilespmem:s22+$0x16440]  }
0xfa: {  	v6 =	vld [tilespmem:s22+$0x16450]  }
0xfb: {  	[tilespmem:s22+$0x14470] =	vst.add.f32.msk $0xffff, v0  }
0xfc: {  	v0 =	vld [tilespmem:s22+$0x16460]  }
0xfd: {  	[tilespmem:s22+$0x14400] =	vst.add.f32.msk $0xffff, v1  }
0xfe: {  	[tilespmem:s22+$0x14410] =	vst.add.f32.msk $0xffff, v2  }
0xff: {  	[tilespmem:s22+$0x14420] =	vst.add.f32.msk $0xffff, v3  }
0x100: {  	[tilespmem:s22+$0x14430] =	vst.add.f32.msk $0xffff, v4  }
0x101: {  	[tilespmem:s22+$0x14440] =	vst.add.f32.msk $0xffff, v5  }
0x102: {  	s25 =	simm.s32 $0x0;
	s26 =	simm.s32 $0x200;
	[tilespmem:s22+$0x14450] =	vst.add.f32.msk $0xffff, v6  }
.LBB2_19:
0x103: {  	s25 =	sadd.s32 $0x2, s25;
	[tilespmem:s22+$0x14460] =	vst.add.f32.msk $0xffff, v0;
	s22 =	sshra.s32 s26, $0x2  }
0x104: {  	v0 =	vld [tilespmem:s22+$0x16470];
	p1 =	slt.u32 s25, $0x7E  }
0x105: {  	v1 =	vld [tilespmem:s22+$0x16400]  }
0x106: {  	v2 =	vld [tilespmem:s22+$0x16410]  }
0x107: {  	v3 =	vld [tilespmem:s22+$0x16420]  }
0x108: {  	v4 =	vld [tilespmem:s22+$0x16430]  }
0x109: {  	[tilespmem:s22+$0x14470] =	vst.add.f32.msk $0xffff, v0  }
0x10a: {  	v5 =	vld [tilespmem:s22+$0x16440]  }
0x10b: {  	v6 =	vld [tilespmem:s22+$0x16450]  }
0x10c: {  	v0 =	vld [tilespmem:s22+$0x16460]  }
0x10d: {  	[tilespmem:s22+$0x14400] =	vst.add.f32.msk $0xffff, v1  }
.Ltmp14:
0x10e: {  	[tilespmem:s22+$0x14410] =	vst.add.f32.msk $0xffff, v2;
	(pc) =	sbr.rel @p1 .LBB2_19-.Ltmp14, $4  }
0x10f: {  	[tilespmem:s22+$0x14420] =	vst.add.f32.msk $0xffff, v3  }
0x110: {  	[tilespmem:s22+$0x14430] =	vst.add.f32.msk $0xffff, v4  }
0x111: {  	[tilespmem:s22+$0x14440] =	vst.add.f32.msk $0xffff, v5  }
0x112: {  	s26 =	sadd.s32 $0x200, s26;
	[tilespmem:s22+$0x14450] =	vst.add.f32.msk $0xffff, v6  }
0x113: {  	s9 =	sadd.s32 s5, s23  }
0x114: {  	s10 =	smulhi.u32 $0x51EB851F, s9;
	_ =	sdelay $0x1  }
0x115: {  	s10 =	sshrl.u32 s10, $0x4  }
0x116: {  	s26 =	smul.u32 $0xFFFFE700, s10  }
0x117: {  	s9 =	sshll.u32 s9, $0x7  }
0x118: {  	s9 =	sadd.s32 s9, s26  }
0x119: {  	s23 =	smulhi.u32 $0x51EB851F, s9;
	s25 =	sshra.s32 s9, $0x1F  }
0x11a: {  	s25 =	smul.u32 $0x51EB851F, s25;
	_ =	sdelay $0x1  }
0x11b: {  	s23 =	sadd.s32 s25, s23  }
0x11c: {  	s25 =	sshrl.u32 s23, $0x1F;
	s23 =	sshra.s32 s23, $0xA  }
0x11d: {  	s23 =	sadd.s32 s25, s23  }
0x11e: {  	s25 =	smul.u32 $0xFFFFF380, s23  }
0x11f: {  	s26 =	ssub.s32 $0x0, s9  }
0x120: {  	p2 =	slt.s32 s9, $0x1;
	p1 =	sne.s32 s25, s26  }
0x121: {  	p1 =	por !p2, !p1  }
0x122: {  	s25 =	simm.s32 $0x1;
	p1 =	por !p1, !p1  }
0x123: {  	s25 =	simm.s32 @!p1 $0x0  }
0x124: {  	s23 =	ssub.s32 s23, s25  }
0x125: {  	p1 =	seq.s32 s23, $0x1  }
.Ltmp15:
0x126: {  	_ = 	snop;
	(pc) =	sbr.rel @p1 .LBB2_23-.Ltmp15, $3  }
0x127: {  	s10 =	ssub.s32 s10, s23  }
0x128: {  	s10 =	smul.u32 $0xC80, s10;
	_ =	sdelay $0x1  }
0x129: {  	[tilespmem:s22+$0x14460] =	vst.add.f32.msk $0xffff, v0;
	s22 =	sadd.s32 s9, s10  }
0x12a: {  	p1 =	sne.s32 s23, $0x0  }
.Ltmp16:
0x12b: {  	_ = 	snop;
	(pc) =	sbr.rel @p1 .LBB2_25-.Ltmp16, $1  }
0x12c: {  	_ =	sdelay $0x3  }
.Ltmp17:
0x12d: {  	(pc) =	sbr.rel .LBB2_24-.Ltmp17, $4  }
0x12e: {  	_ = 	snop  }
0x12f: {  	s9 =	sshll.u32 s22, $0x4  }
0x130: {  	s9 =	sand.u32 $0x1FFFF800, s9  }
0x131: {  	s22 =	sadd.s32 s6, s9  }
.LBB2_27:
0x132: {  	_ =	sfence.sel $0x180000  }
0x133: {  	[bflag:$0x0] =	sbarrier.arrive $0xFFFF  }
0x134: {  	_ =	strace $0x90000047  }
0x135: {  	s0 =	stileid.u32;
	[bflag:$0x2] =	sbarrier.arrive $0xFFFF  }
0x136: {  	p0 =	sne.s32 s0, $0x0;
	s0 =	rddreg [dreg:$0x2]  }
0x137: {  	s0 =	sadd.s32 @!p0 $0x100000, s0  }
0x138: {  	[sflag:s0] =	ssyncadd.tile.s32 @!p0 $0x1;
	_ =	shalt  }
.Lfunc_end2:
_tile_overlayer_lowered:
.L_overlay_start_2:
0x139: {  	(tag) =	ssettag $0x2  }
0x13a: {  	s0 =	rddreg [dreg:$0x0];
	s2 =	stileid.u32  }
0x13b: {  	s1 =	rddreg [dreg:$0x1];
	p0 =	sne.s32 s2, $0x0  }
0x13c: {  	s3 =	rddreg [dreg:$0x2];
	[bflag:$0x3] =	sbarrier.arrive $0xFFFF;
	s2 =	simm.s32 @!p0 $0x1C04  }
0x13d: {  	[timem:s3], [sflag:s2] =	dma.local @!p0 [hbm:s0], s1  }
0x13e: {  	s0 =	simm.s32 @!p0 $0x4  }
0x13f: {  	_ =	swait.ge @!p0 [sflag:s0], s1  }
0x140: {  	s1 =	ssub.s32 @!p0 $0x0, s1;
	[sflag:s0] =	ssyncset.done @!p0 $0x0  }
0x141: {  	[sflag:s0] =	ssyncadd.s32 @!p0 s1  }
0x142: {  	[bflag:$0x3] =	sbarrier.arrive $0xFFFF  }
0x143: {  	_ =	shalt  }

</sc_bundles>
